<compile_context>
chip_gen: v7x
topology: tpu7x:2x2x1
jax: 0.10.2.dev20260603
libtpu: 0.0.44.dev20260713+nightly
codegen_flags: <defaults>
</compile_context>

<pallas_src>
import functools

import jax
import jax.numpy as jnp
from jax.experimental import pallas as pl
from jax.experimental.pallas import tpu as pltpu

_TOP_K = 8
_SPARSE_EPS = 1e-4

_BN = 16384


def _routing_weights(c):
    B, E = c.shape
    col = jax.lax.broadcasted_iota(jnp.int32, (B, E), 1)
    rank = jnp.zeros((B, E), dtype=jnp.int32)
    for j in range(E):
        cj = c[:, j : j + 1]
        beats = (cj > c) | ((cj == c) & (j < col))
        rank = rank + beats.astype(jnp.int32)
    cm = jnp.where(rank < _TOP_K, c, 0.0)
    m = jnp.max(cm, axis=1, keepdims=True)
    ex = jnp.exp(cm - m)
    p = ex / jnp.sum(ex, axis=1, keepdims=True)
    p = jnp.where(p < _SPARSE_EPS, 0.0, p)
    return p.astype(jnp.bfloat16)


def _ensemble_kernel(cfg_ref, attr_ref, out_ref, p_bf16):
    @pl.when(pl.program_id(0) == 0)
    def _():
        p_bf16[...] = _routing_weights(cfg_ref[...])

    a = attr_ref[...].astype(jnp.bfloat16)
    out_ref[...] = jnp.dot(p_bf16[...], a, preferred_element_type=jnp.float32)


def kernel(configuration, kernel):
    B, E = configuration.shape
    E2, d1, d2 = kernel.shape
    N = d1 * d2
    attr = kernel.reshape(E2, N)
    n_blocks = N // _BN

    out = pl.pallas_call(
        functools.partial(_ensemble_kernel),
        grid=(n_blocks,),
        in_specs=[
            pl.BlockSpec((B, E), lambda i: (0, 0)),
            pl.BlockSpec((E2, _BN), lambda i: (0, i)),
        ],
        out_specs=pl.BlockSpec((B, _BN), lambda i: (0, i)),
        out_shape=jax.ShapeDtypeStruct((B, N), jnp.float32),
        scratch_shapes=[
            pltpu.VMEM((B, E), jnp.bfloat16),
        ],
        compiler_params=pltpu.CompilerParams(
            dimension_semantics=("arbitrary",),
        ),
    )(configuration, attr)
    return out.reshape(B, d1, d2)

# --- scband reference (transcript-rebuilt; emitter-appended) ---
"""Pipeline reference for scband-ensemble-space-83133386981963 (READ-ONLY COPY).

The authoritative reference and input builder live on the scoring server;
editing this copy changes nothing except your own understanding.
"""

import jax, jax.numpy as jnp
import numpy as np

TOP_K = 8
SPARSE_EPS = 1e-4


def setup_inputs(seed: int = 0) -> dict:
    key = jax.random.key(seed)
    k1, k2 = jax.random.split(key)
    configuration = jax.random.normal(k1, (128, 64), dtype=jnp.float32)
    kernel = jax.random.normal(k2, (64, 512, 512), dtype=jnp.float32) * 0.02
    return {"configuration": configuration, "kernel": kernel}


def reference(configuration, kernel):
    # EnsembleSpace: configuration setter (top_k branch) + construct_ensemble
    E = kernel.shape[0]
    # configuration.setter with top_k: topk -> one-hot mask via index comparison
    _, idx = jax.lax.top_k(configuration, TOP_K)            # [B, k]
    mask = jnp.any(idx[..., None] == jnp.arange(E), axis=-2)  # [B, E] bool
    cfg = configuration * mask                               # zero out non-topk
    cfg = jax.nn.softmax(cfg, axis=-1)                       # softmax over full width (faithful to module)
    # construct_ensemble: flatten kernel, epsilon-sparsify config, (sparse) mm, reshape
    cfg_sparse = jnp.where(cfg < SPARSE_EPS, 0.0, cfg)       # masked_fill(config < eps, 0)
    attr = kernel.reshape(E, -1)                             # [E, d_in*d_out]
    out = cfg_sparse @ attr                                  # torch.sparse.mm equivalent (dense math)
    restoration_shape = configuration.shape[:-1] + kernel.shape[1:]
    return out.reshape(restoration_shape)                    # [B, 512, 512]

if __name__ == "__main__":
    import jax
    _d = setup_inputs()
    print(jax.jit(kernel)(*tuple(_d.values())))

</pallas_src>

<mosaic_0001>
module attributes {stable_mosaic.version = 14 : i64} {
  func.func @_ensemble_kernel(%arg0: i32, %arg1: memref<128x64xf32, #tpu.memory_space<vmem>>, %arg2: memref<64x16384xf32, #tpu.memory_space<vmem>>, %arg3: memref<128x16384xf32, #tpu.memory_space<vmem>>, %arg4: memref<128x64xbf16, #tpu.memory_space<vmem>>) attributes {dimension_semantics = [#tpu.dimension_semantics<arbitrary>], iteration_bounds = array<i64: 16>, scalar_prefetch = 0 : i64, scratch_operands = 1 : i64, tpu.core_type = #tpu.core_type<tc>, window_params = [{pipeline_mode = #tpu.pipeline_mode<synchronous>, transform_indices = @transform_0, window_bounds = array<i64: 128, 64>}, {transform_indices = @transform_1, window_bounds = array<i64: 64, 16384>}, {transform_indices = @transform_2, window_bounds = array<i64: 128, 16384>}]} {
    %eq3A = arith.constant 0 : i32
    %eq3A_0 = arith.cmpi eq, %arg0, %eq3A : i32
    %convert_element_type3A = arith.extui %eq3A_0 : i1 to i32
    %cond3A = arith.constant 0 : i32
    %cond3A_1 = arith.cmpi ne, %convert_element_type3A, %cond3A : i32
    scf.if %cond3A_1 {
      %get3A_11 = arith.constant 0 : index
      %get3A_12 = arith.constant 0 : index
      %get3A_13 = vector.load %arg1[%get3A_11, %get3A_12] : memref<128x64xf32, #tpu.memory_space<vmem>>, vector<128x64xf32>
      %iota3A = tpu.iota {dimensions = array<i32: 1>} : vector<128x64xi32>
      %broadcast_in_dim3A = arith.constant 0 : i32
      %broadcast_in_dim3A_14 = vector.broadcast %broadcast_in_dim3A : i32 to vector<128x64xi32>
      %slice3A = vector.extract_strided_slice %get3A_13 {offsets = [0, 0], sizes = [128, 1], strides = [1, 1]} : vector<128x64xf32> to vector<128x1xf32>
      %gt3A = vector.broadcast %slice3A : vector<128x1xf32> to vector<128x64xf32>
      %gt3A_15 = arith.cmpf ogt, %gt3A, %get3A_13 : vector<128x64xf32>
      %eq3A_16 = vector.broadcast %slice3A : vector<128x1xf32> to vector<128x64xf32>
      %eq3A_17 = arith.cmpf oeq, %eq3A_16, %get3A_13 : vector<128x64xf32>
      %gt3A_18 = arith.constant 0 : i32
      %gt3A_19 = vector.broadcast %gt3A_18 : i32 to vector<128x64xi32>
      %gt3A_20 = arith.cmpi sgt, %iota3A, %gt3A_19 : vector<128x64xi32>
      %and3A = arith.andi %eq3A_17, %gt3A_20 : vector<128x64xi1>
      %or3A = arith.ori %gt3A_15, %and3A : vector<128x64xi1>
      %convert_element_type3A_21 = arith.extui %or3A : vector<128x64xi1> to vector<128x64xi32>
      %add3A = arith.addi %broadcast_in_dim3A_14, %convert_element_type3A_21 : vector<128x64xi32>
      %slice3A_22 = vector.extract_strided_slice %get3A_13 {offsets = [0, 1], sizes = [128, 1], strides = [1, 1]} : vector<128x64xf32> to vector<128x1xf32>
      %gt3A_23 = vector.broadcast %slice3A_22 : vector<128x1xf32> to vector<128x64xf32>
      %gt3A_24 = arith.cmpf ogt, %gt3A_23, %get3A_13 : vector<128x64xf32>
      %eq3A_25 = vector.broadcast %slice3A_22 : vector<128x1xf32> to vector<128x64xf32>
      %eq3A_26 = arith.cmpf oeq, %eq3A_25, %get3A_13 : vector<128x64xf32>
      %gt3A_27 = arith.constant 1 : i32
      %gt3A_28 = vector.broadcast %gt3A_27 : i32 to vector<128x64xi32>
      %gt3A_29 = arith.cmpi sgt, %iota3A, %gt3A_28 : vector<128x64xi32>
      %and3A_30 = arith.andi %eq3A_26, %gt3A_29 : vector<128x64xi1>
      %or3A_31 = arith.ori %gt3A_24, %and3A_30 : vector<128x64xi1>
      %convert_element_type3A_32 = arith.extui %or3A_31 : vector<128x64xi1> to vector<128x64xi32>
      %add3A_33 = arith.addi %add3A, %convert_element_type3A_32 : vector<128x64xi32>
      %slice3A_34 = vector.extract_strided_slice %get3A_13 {offsets = [0, 2], sizes = [128, 1], strides = [1, 1]} : vector<128x64xf32> to vector<128x1xf32>
      %gt3A_35 = vector.broadcast %slice3A_34 : vector<128x1xf32> to vector<128x64xf32>
      %gt3A_36 = arith.cmpf ogt, %gt3A_35, %get3A_13 : vector<128x64xf32>
      %eq3A_37 = vector.broadcast %slice3A_34 : vector<128x1xf32> to vector<128x64xf32>
      %eq3A_38 = arith.cmpf oeq, %eq3A_37, %get3A_13 : vector<128x64xf32>
      %gt3A_39 = arith.constant 2 : i32
      %gt3A_40 = vector.broadcast %gt3A_39 : i32 to vector<128x64xi32>
      %gt3A_41 = arith.cmpi sgt, %iota3A, %gt3A_40 : vector<128x64xi32>
      %and3A_42 = arith.andi %eq3A_38, %gt3A_41 : vector<128x64xi1>
      %or3A_43 = arith.ori %gt3A_36, %and3A_42 : vector<128x64xi1>
      %convert_element_type3A_44 = arith.extui %or3A_43 : vector<128x64xi1> to vector<128x64xi32>
      %add3A_45 = arith.addi %add3A_33, %convert_element_type3A_44 : vector<128x64xi32>
      %slice3A_46 = vector.extract_strided_slice %get3A_13 {offsets = [0, 3], sizes = [128, 1], strides = [1, 1]} : vector<128x64xf32> to vector<128x1xf32>
      %gt3A_47 = vector.broadcast %slice3A_46 : vector<128x1xf32> to vector<128x64xf32>
      %gt3A_48 = arith.cmpf ogt, %gt3A_47, %get3A_13 : vector<128x64xf32>
      %eq3A_49 = vector.broadcast %slice3A_46 : vector<128x1xf32> to vector<128x64xf32>
      %eq3A_50 = arith.cmpf oeq, %eq3A_49, %get3A_13 : vector<128x64xf32>
      %gt3A_51 = arith.constant 3 : i32
      %gt3A_52 = vector.broadcast %gt3A_51 : i32 to vector<128x64xi32>
      %gt3A_53 = arith.cmpi sgt, %iota3A, %gt3A_52 : vector<128x64xi32>
      %and3A_54 = arith.andi %eq3A_50, %gt3A_53 : vector<128x64xi1>
      %or3A_55 = arith.ori %gt3A_48, %and3A_54 : vector<128x64xi1>
      %convert_element_type3A_56 = arith.extui %or3A_55 : vector<128x64xi1> to vector<128x64xi32>
      %add3A_57 = arith.addi %add3A_45, %convert_element_type3A_56 : vector<128x64xi32>
      %slice3A_58 = vector.extract_strided_slice %get3A_13 {offsets = [0, 4], sizes = [128, 1], strides = [1, 1]} : vector<128x64xf32> to vector<128x1xf32>
      %gt3A_59 = vector.broadcast %slice3A_58 : vector<128x1xf32> to vector<128x64xf32>
      %gt3A_60 = arith.cmpf ogt, %gt3A_59, %get3A_13 : vector<128x64xf32>
      %eq3A_61 = vector.broadcast %slice3A_58 : vector<128x1xf32> to vector<128x64xf32>
      %eq3A_62 = arith.cmpf oeq, %eq3A_61, %get3A_13 : vector<128x64xf32>
      %gt3A_63 = arith.constant 4 : i32
      %gt3A_64 = vector.broadcast %gt3A_63 : i32 to vector<128x64xi32>
      %gt3A_65 = arith.cmpi sgt, %iota3A, %gt3A_64 : vector<128x64xi32>
      %and3A_66 = arith.andi %eq3A_62, %gt3A_65 : vector<128x64xi1>
      %or3A_67 = arith.ori %gt3A_60, %and3A_66 : vector<128x64xi1>
      %convert_element_type3A_68 = arith.extui %or3A_67 : vector<128x64xi1> to vector<128x64xi32>
      %add3A_69 = arith.addi %add3A_57, %convert_element_type3A_68 : vector<128x64xi32>
      %slice3A_70 = vector.extract_strided_slice %get3A_13 {offsets = [0, 5], sizes = [128, 1], strides = [1, 1]} : vector<128x64xf32> to vector<128x1xf32>
      %gt3A_71 = vector.broadcast %slice3A_70 : vector<128x1xf32> to vector<128x64xf32>
      %gt3A_72 = arith.cmpf ogt, %gt3A_71, %get3A_13 : vector<128x64xf32>
      %eq3A_73 = vector.broadcast %slice3A_70 : vector<128x1xf32> to vector<128x64xf32>
      %eq3A_74 = arith.cmpf oeq, %eq3A_73, %get3A_13 : vector<128x64xf32>
      %gt3A_75 = arith.constant 5 : i32
      %gt3A_76 = vector.broadcast %gt3A_75 : i32 to vector<128x64xi32>
      %gt3A_77 = arith.cmpi sgt, %iota3A, %gt3A_76 : vector<128x64xi32>
      %and3A_78 = arith.andi %eq3A_74, %gt3A_77 : vector<128x64xi1>
      %or3A_79 = arith.ori %gt3A_72, %and3A_78 : vector<128x64xi1>
      %convert_element_type3A_80 = arith.extui %or3A_79 : vector<128x64xi1> to vector<128x64xi32>
      %add3A_81 = arith.addi %add3A_69, %convert_element_type3A_80 : vector<128x64xi32>
      %slice3A_82 = vector.extract_strided_slice %get3A_13 {offsets = [0, 6], sizes = [128, 1], strides = [1, 1]} : vector<128x64xf32> to vector<128x1xf32>
      %gt3A_83 = vector.broadcast %slice3A_82 : vector<128x1xf32> to vector<128x64xf32>
      %gt3A_84 = arith.cmpf ogt, %gt3A_83, %get3A_13 : vector<128x64xf32>
      %eq3A_85 = vector.broadcast %slice3A_82 : vector<128x1xf32> to vector<128x64xf32>
      %eq3A_86 = arith.cmpf oeq, %eq3A_85, %get3A_13 : vector<128x64xf32>
      %gt3A_87 = arith.constant 6 : i32
      %gt3A_88 = vector.broadcast %gt3A_87 : i32 to vector<128x64xi32>
      %gt3A_89 = arith.cmpi sgt, %iota3A, %gt3A_88 : vector<128x64xi32>
      %and3A_90 = arith.andi %eq3A_86, %gt3A_89 : vector<128x64xi1>
      %or3A_91 = arith.ori %gt3A_84, %and3A_90 : vector<128x64xi1>
      %convert_element_type3A_92 = arith.extui %or3A_91 : vector<128x64xi1> to vector<128x64xi32>
      %add3A_93 = arith.addi %add3A_81, %convert_element_type3A_92 : vector<128x64xi32>
      %slice3A_94 = vector.extract_strided_slice %get3A_13 {offsets = [0, 7], sizes = [128, 1], strides = [1, 1]} : vector<128x64xf32> to vector<128x1xf32>
      %gt3A_95 = vector.broadcast %slice3A_94 : vector<128x1xf32> to vector<128x64xf32>
      %gt3A_96 = arith.cmpf ogt, %gt3A_95, %get3A_13 : vector<128x64xf32>
      %eq3A_97 = vector.broadcast %slice3A_94 : vector<128x1xf32> to vector<128x64xf32>
      %eq3A_98 = arith.cmpf oeq, %eq3A_97, %get3A_13 : vector<128x64xf32>
      %gt3A_99 = arith.constant 7 : i32
      %gt3A_100 = vector.broadcast %gt3A_99 : i32 to vector<128x64xi32>
      %gt3A_101 = arith.cmpi sgt, %iota3A, %gt3A_100 : vector<128x64xi32>
      %and3A_102 = arith.andi %eq3A_98, %gt3A_101 : vector<128x64xi1>
      %or3A_103 = arith.ori %gt3A_96, %and3A_102 : vector<128x64xi1>
      %convert_element_type3A_104 = arith.extui %or3A_103 : vector<128x64xi1> to vector<128x64xi32>
      %add3A_105 = arith.addi %add3A_93, %convert_element_type3A_104 : vector<128x64xi32>
      %slice3A_106 = vector.extract_strided_slice %get3A_13 {offsets = [0, 8], sizes = [128, 1], strides = [1, 1]} : vector<128x64xf32> to vector<128x1xf32>
      %gt3A_107 = vector.broadcast %slice3A_106 : vector<128x1xf32> to vector<128x64xf32>
      %gt3A_108 = arith.cmpf ogt, %gt3A_107, %get3A_13 : vector<128x64xf32>
      %eq3A_109 = vector.broadcast %slice3A_106 : vector<128x1xf32> to vector<128x64xf32>
      %eq3A_110 = arith.cmpf oeq, %eq3A_109, %get3A_13 : vector<128x64xf32>
      %gt3A_111 = arith.constant 8 : i32
      %gt3A_112 = vector.broadcast %gt3A_111 : i32 to vector<128x64xi32>
      %gt3A_113 = arith.cmpi sgt, %iota3A, %gt3A_112 : vector<128x64xi32>
      %and3A_114 = arith.andi %eq3A_110, %gt3A_113 : vector<128x64xi1>
      %or3A_115 = arith.ori %gt3A_108, %and3A_114 : vector<128x64xi1>
      %convert_element_type3A_116 = arith.extui %or3A_115 : vector<128x64xi1> to vector<128x64xi32>
      %add3A_117 = arith.addi %add3A_105, %convert_element_type3A_116 : vector<128x64xi32>
      %slice3A_118 = vector.extract_strided_slice %get3A_13 {offsets = [0, 9], sizes = [128, 1], strides = [1, 1]} : vector<128x64xf32> to vector<128x1xf32>
      %gt3A_119 = vector.broadcast %slice3A_118 : vector<128x1xf32> to vector<128x64xf32>
      %gt3A_120 = arith.cmpf ogt, %gt3A_119, %get3A_13 : vector<128x64xf32>
      %eq3A_121 = vector.broadcast %slice3A_118 : vector<128x1xf32> to vector<128x64xf32>
      %eq3A_122 = arith.cmpf oeq, %eq3A_121, %get3A_13 : vector<128x64xf32>
      %gt3A_123 = arith.constant 9 : i32
      %gt3A_124 = vector.broadcast %gt3A_123 : i32 to vector<128x64xi32>
      %gt3A_125 = arith.cmpi sgt, %iota3A, %gt3A_124 : vector<128x64xi32>
      %and3A_126 = arith.andi %eq3A_122, %gt3A_125 : vector<128x64xi1>
      %or3A_127 = arith.ori %gt3A_120, %and3A_126 : vector<128x64xi1>
      %convert_element_type3A_128 = arith.extui %or3A_127 : vector<128x64xi1> to vector<128x64xi32>
      %add3A_129 = arith.addi %add3A_117, %convert_element_type3A_128 : vector<128x64xi32>
      %slice3A_130 = vector.extract_strided_slice %get3A_13 {offsets = [0, 10], sizes = [128, 1], strides = [1, 1]} : vector<128x64xf32> to vector<128x1xf32>
      %gt3A_131 = vector.broadcast %slice3A_130 : vector<128x1xf32> to vector<128x64xf32>
      %gt3A_132 = arith.cmpf ogt, %gt3A_131, %get3A_13 : vector<128x64xf32>
      %eq3A_133 = vector.broadcast %slice3A_130 : vector<128x1xf32> to vector<128x64xf32>
      %eq3A_134 = arith.cmpf oeq, %eq3A_133, %get3A_13 : vector<128x64xf32>
      %gt3A_135 = arith.constant 10 : i32
      %gt3A_136 = vector.broadcast %gt3A_135 : i32 to vector<128x64xi32>
      %gt3A_137 = arith.cmpi sgt, %iota3A, %gt3A_136 : vector<128x64xi32>
      %and3A_138 = arith.andi %eq3A_134, %gt3A_137 : vector<128x64xi1>
      %or3A_139 = arith.ori %gt3A_132, %and3A_138 : vector<128x64xi1>
      %convert_element_type3A_140 = arith.extui %or3A_139 : vector<128x64xi1> to vector<128x64xi32>
      %add3A_141 = arith.addi %add3A_129, %convert_element_type3A_140 : vector<128x64xi32>
      %slice3A_142 = vector.extract_strided_slice %get3A_13 {offsets = [0, 11], sizes = [128, 1], strides = [1, 1]} : vector<128x64xf32> to vector<128x1xf32>
      %gt3A_143 = vector.broadcast %slice3A_142 : vector<128x1xf32> to vector<128x64xf32>
      %gt3A_144 = arith.cmpf ogt, %gt3A_143, %get3A_13 : vector<128x64xf32>
      %eq3A_145 = vector.broadcast %slice3A_142 : vector<128x1xf32> to vector<128x64xf32>
      %eq3A_146 = arith.cmpf oeq, %eq3A_145, %get3A_13 : vector<128x64xf32>
      %gt3A_147 = arith.constant 11 : i32
      %gt3A_148 = vector.broadcast %gt3A_147 : i32 to vector<128x64xi32>
      %gt3A_149 = arith.cmpi sgt, %iota3A, %gt3A_148 : vector<128x64xi32>
      %and3A_150 = arith.andi %eq3A_146, %gt3A_149 : vector<128x64xi1>
      %or3A_151 = arith.ori %gt3A_144, %and3A_150 : vector<128x64xi1>
      %convert_element_type3A_152 = arith.extui %or3A_151 : vector<128x64xi1> to vector<128x64xi32>
      %add3A_153 = arith.addi %add3A_141, %convert_element_type3A_152 : vector<128x64xi32>
      %slice3A_154 = vector.extract_strided_slice %get3A_13 {offsets = [0, 12], sizes = [128, 1], strides = [1, 1]} : vector<128x64xf32> to vector<128x1xf32>
      %gt3A_155 = vector.broadcast %slice3A_154 : vector<128x1xf32> to vector<128x64xf32>
      %gt3A_156 = arith.cmpf ogt, %gt3A_155, %get3A_13 : vector<128x64xf32>
      %eq3A_157 = vector.broadcast %slice3A_154 : vector<128x1xf32> to vector<128x64xf32>
      %eq3A_158 = arith.cmpf oeq, %eq3A_157, %get3A_13 : vector<128x64xf32>
      %gt3A_159 = arith.constant 12 : i32
      %gt3A_160 = vector.broadcast %gt3A_159 : i32 to vector<128x64xi32>
      %gt3A_161 = arith.cmpi sgt, %iota3A, %gt3A_160 : vector<128x64xi32>
      %and3A_162 = arith.andi %eq3A_158, %gt3A_161 : vector<128x64xi1>
      %or3A_163 = arith.ori %gt3A_156, %and3A_162 : vector<128x64xi1>
      %convert_element_type3A_164 = arith.extui %or3A_163 : vector<128x64xi1> to vector<128x64xi32>
      %add3A_165 = arith.addi %add3A_153, %convert_element_type3A_164 : vector<128x64xi32>
      %slice3A_166 = vector.extract_strided_slice %get3A_13 {offsets = [0, 13], sizes = [128, 1], strides = [1, 1]} : vector<128x64xf32> to vector<128x1xf32>
      %gt3A_167 = vector.broadcast %slice3A_166 : vector<128x1xf32> to vector<128x64xf32>
      %gt3A_168 = arith.cmpf ogt, %gt3A_167, %get3A_13 : vector<128x64xf32>
      %eq3A_169 = vector.broadcast %slice3A_166 : vector<128x1xf32> to vector<128x64xf32>
      %eq3A_170 = arith.cmpf oeq, %eq3A_169, %get3A_13 : vector<128x64xf32>
      %gt3A_171 = arith.constant 13 : i32
      %gt3A_172 = vector.broadcast %gt3A_171 : i32 to vector<128x64xi32>
      %gt3A_173 = arith.cmpi sgt, %iota3A, %gt3A_172 : vector<128x64xi32>
      %and3A_174 = arith.andi %eq3A_170, %gt3A_173 : vector<128x64xi1>
      %or3A_175 = arith.ori %gt3A_168, %and3A_174 : vector<128x64xi1>
      %convert_element_type3A_176 = arith.extui %or3A_175 : vector<128x64xi1> to vector<128x64xi32>
      %add3A_177 = arith.addi %add3A_165, %convert_element_type3A_176 : vector<128x64xi32>
      %slice3A_178 = vector.extract_strided_slice %get3A_13 {offsets = [0, 14], sizes = [128, 1], strides = [1, 1]} : vector<128x64xf32> to vector<128x1xf32>
      %gt3A_179 = vector.broadcast %slice3A_178 : vector<128x1xf32> to vector<128x64xf32>
      %gt3A_180 = arith.cmpf ogt, %gt3A_179, %get3A_13 : vector<128x64xf32>
      %eq3A_181 = vector.broadcast %slice3A_178 : vector<128x1xf32> to vector<128x64xf32>
      %eq3A_182 = arith.cmpf oeq, %eq3A_181, %get3A_13 : vector<128x64xf32>
      %gt3A_183 = arith.constant 14 : i32
      %gt3A_184 = vector.broadcast %gt3A_183 : i32 to vector<128x64xi32>
      %gt3A_185 = arith.cmpi sgt, %iota3A, %gt3A_184 : vector<128x64xi32>
      %and3A_186 = arith.andi %eq3A_182, %gt3A_185 : vector<128x64xi1>
      %or3A_187 = arith.ori %gt3A_180, %and3A_186 : vector<128x64xi1>
      %convert_element_type3A_188 = arith.extui %or3A_187 : vector<128x64xi1> to vector<128x64xi32>
      %add3A_189 = arith.addi %add3A_177, %convert_element_type3A_188 : vector<128x64xi32>
      %slice3A_190 = vector.extract_strided_slice %get3A_13 {offsets = [0, 15], sizes = [128, 1], strides = [1, 1]} : vector<128x64xf32> to vector<128x1xf32>
      %gt3A_191 = vector.broadcast %slice3A_190 : vector<128x1xf32> to vector<128x64xf32>
      %gt3A_192 = arith.cmpf ogt, %gt3A_191, %get3A_13 : vector<128x64xf32>
      %eq3A_193 = vector.broadcast %slice3A_190 : vector<128x1xf32> to vector<128x64xf32>
      %eq3A_194 = arith.cmpf oeq, %eq3A_193, %get3A_13 : vector<128x64xf32>
      %gt3A_195 = arith.constant 15 : i32
      %gt3A_196 = vector.broadcast %gt3A_195 : i32 to vector<128x64xi32>
      %gt3A_197 = arith.cmpi sgt, %iota3A, %gt3A_196 : vector<128x64xi32>
      %and3A_198 = arith.andi %eq3A_194, %gt3A_197 : vector<128x64xi1>
      %or3A_199 = arith.ori %gt3A_192, %and3A_198 : vector<128x64xi1>
      %convert_element_type3A_200 = arith.extui %or3A_199 : vector<128x64xi1> to vector<128x64xi32>
      %add3A_201 = arith.addi %add3A_189, %convert_element_type3A_200 : vector<128x64xi32>
      %slice3A_202 = vector.extract_strided_slice %get3A_13 {offsets = [0, 16], sizes = [128, 1], strides = [1, 1]} : vector<128x64xf32> to vector<128x1xf32>
      %gt3A_203 = vector.broadcast %slice3A_202 : vector<128x1xf32> to vector<128x64xf32>
      %gt3A_204 = arith.cmpf ogt, %gt3A_203, %get3A_13 : vector<128x64xf32>
      %eq3A_205 = vector.broadcast %slice3A_202 : vector<128x1xf32> to vector<128x64xf32>
      %eq3A_206 = arith.cmpf oeq, %eq3A_205, %get3A_13 : vector<128x64xf32>
      %gt3A_207 = arith.constant 16 : i32
      %gt3A_208 = vector.broadcast %gt3A_207 : i32 to vector<128x64xi32>
      %gt3A_209 = arith.cmpi sgt, %iota3A, %gt3A_208 : vector<128x64xi32>
      %and3A_210 = arith.andi %eq3A_206, %gt3A_209 : vector<128x64xi1>
      %or3A_211 = arith.ori %gt3A_204, %and3A_210 : vector<128x64xi1>
      %convert_element_type3A_212 = arith.extui %or3A_211 : vector<128x64xi1> to vector<128x64xi32>
      %add3A_213 = arith.addi %add3A_201, %convert_element_type3A_212 : vector<128x64xi32>
      %slice3A_214 = vector.extract_strided_slice %get3A_13 {offsets = [0, 17], sizes = [128, 1], strides = [1, 1]} : vector<128x64xf32> to vector<128x1xf32>
      %gt3A_215 = vector.broadcast %slice3A_214 : vector<128x1xf32> to vector<128x64xf32>
      %gt3A_216 = arith.cmpf ogt, %gt3A_215, %get3A_13 : vector<128x64xf32>
      %eq3A_217 = vector.broadcast %slice3A_214 : vector<128x1xf32> to vector<128x64xf32>
      %eq3A_218 = arith.cmpf oeq, %eq3A_217, %get3A_13 : vector<128x64xf32>
      %gt3A_219 = arith.constant 17 : i32
      %gt3A_220 = vector.broadcast %gt3A_219 : i32 to vector<128x64xi32>
      %gt3A_221 = arith.cmpi sgt, %iota3A, %gt3A_220 : vector<128x64xi32>
      %and3A_222 = arith.andi %eq3A_218, %gt3A_221 : vector<128x64xi1>
      %or3A_223 = arith.ori %gt3A_216, %and3A_222 : vector<128x64xi1>
      %convert_element_type3A_224 = arith.extui %or3A_223 : vector<128x64xi1> to vector<128x64xi32>
      %add3A_225 = arith.addi %add3A_213, %convert_element_type3A_224 : vector<128x64xi32>
      %slice3A_226 = vector.extract_strided_slice %get3A_13 {offsets = [0, 18], sizes = [128, 1], strides = [1, 1]} : vector<128x64xf32> to vector<128x1xf32>
      %gt3A_227 = vector.broadcast %slice3A_226 : vector<128x1xf32> to vector<128x64xf32>
      %gt3A_228 = arith.cmpf ogt, %gt3A_227, %get3A_13 : vector<128x64xf32>
      %eq3A_229 = vector.broadcast %slice3A_226 : vector<128x1xf32> to vector<128x64xf32>
      %eq3A_230 = arith.cmpf oeq, %eq3A_229, %get3A_13 : vector<128x64xf32>
      %gt3A_231 = arith.constant 18 : i32
      %gt3A_232 = vector.broadcast %gt3A_231 : i32 to vector<128x64xi32>
      %gt3A_233 = arith.cmpi sgt, %iota3A, %gt3A_232 : vector<128x64xi32>
      %and3A_234 = arith.andi %eq3A_230, %gt3A_233 : vector<128x64xi1>
      %or3A_235 = arith.ori %gt3A_228, %and3A_234 : vector<128x64xi1>
      %convert_element_type3A_236 = arith.extui %or3A_235 : vector<128x64xi1> to vector<128x64xi32>
      %add3A_237 = arith.addi %add3A_225, %convert_element_type3A_236 : vector<128x64xi32>
      %slice3A_238 = vector.extract_strided_slice %get3A_13 {offsets = [0, 19], sizes = [128, 1], strides = [1, 1]} : vector<128x64xf32> to vector<128x1xf32>
      %gt3A_239 = vector.broadcast %slice3A_238 : vector<128x1xf32> to vector<128x64xf32>
      %gt3A_240 = arith.cmpf ogt, %gt3A_239, %get3A_13 : vector<128x64xf32>
      %eq3A_241 = vector.broadcast %slice3A_238 : vector<128x1xf32> to vector<128x64xf32>
      %eq3A_242 = arith.cmpf oeq, %eq3A_241, %get3A_13 : vector<128x64xf32>
      %gt3A_243 = arith.constant 19 : i32
      %gt3A_244 = vector.broadcast %gt3A_243 : i32 to vector<128x64xi32>
      %gt3A_245 = arith.cmpi sgt, %iota3A, %gt3A_244 : vector<128x64xi32>
      %and3A_246 = arith.andi %eq3A_242, %gt3A_245 : vector<128x64xi1>
      %or3A_247 = arith.ori %gt3A_240, %and3A_246 : vector<128x64xi1>
      %convert_element_type3A_248 = arith.extui %or3A_247 : vector<128x64xi1> to vector<128x64xi32>
      %add3A_249 = arith.addi %add3A_237, %convert_element_type3A_248 : vector<128x64xi32>
      %slice3A_250 = vector.extract_strided_slice %get3A_13 {offsets = [0, 20], sizes = [128, 1], strides = [1, 1]} : vector<128x64xf32> to vector<128x1xf32>
      %gt3A_251 = vector.broadcast %slice3A_250 : vector<128x1xf32> to vector<128x64xf32>
      %gt3A_252 = arith.cmpf ogt, %gt3A_251, %get3A_13 : vector<128x64xf32>
      %eq3A_253 = vector.broadcast %slice3A_250 : vector<128x1xf32> to vector<128x64xf32>
      %eq3A_254 = arith.cmpf oeq, %eq3A_253, %get3A_13 : vector<128x64xf32>
      %gt3A_255 = arith.constant 20 : i32
      %gt3A_256 = vector.broadcast %gt3A_255 : i32 to vector<128x64xi32>
      %gt3A_257 = arith.cmpi sgt, %iota3A, %gt3A_256 : vector<128x64xi32>
      %and3A_258 = arith.andi %eq3A_254, %gt3A_257 : vector<128x64xi1>
      %or3A_259 = arith.ori %gt3A_252, %and3A_258 : vector<128x64xi1>
      %convert_element_type3A_260 = arith.extui %or3A_259 : vector<128x64xi1> to vector<128x64xi32>
      %add3A_261 = arith.addi %add3A_249, %convert_element_type3A_260 : vector<128x64xi32>
      %slice3A_262 = vector.extract_strided_slice %get3A_13 {offsets = [0, 21], sizes = [128, 1], strides = [1, 1]} : vector<128x64xf32> to vector<128x1xf32>
      %gt3A_263 = vector.broadcast %slice3A_262 : vector<128x1xf32> to vector<128x64xf32>
      %gt3A_264 = arith.cmpf ogt, %gt3A_263, %get3A_13 : vector<128x64xf32>
      %eq3A_265 = vector.broadcast %slice3A_262 : vector<128x1xf32> to vector<128x64xf32>
      %eq3A_266 = arith.cmpf oeq, %eq3A_265, %get3A_13 : vector<128x64xf32>
      %gt3A_267 = arith.constant 21 : i32
      %gt3A_268 = vector.broadcast %gt3A_267 : i32 to vector<128x64xi32>
      %gt3A_269 = arith.cmpi sgt, %iota3A, %gt3A_268 : vector<128x64xi32>
      %and3A_270 = arith.andi %eq3A_266, %gt3A_269 : vector<128x64xi1>
      %or3A_271 = arith.ori %gt3A_264, %and3A_270 : vector<128x64xi1>
      %convert_element_type3A_272 = arith.extui %or3A_271 : vector<128x64xi1> to vector<128x64xi32>
      %add3A_273 = arith.addi %add3A_261, %convert_element_type3A_272 : vector<128x64xi32>
      %slice3A_274 = vector.extract_strided_slice %get3A_13 {offsets = [0, 22], sizes = [128, 1], strides = [1, 1]} : vector<128x64xf32> to vector<128x1xf32>
      %gt3A_275 = vector.broadcast %slice3A_274 : vector<128x1xf32> to vector<128x64xf32>
      %gt3A_276 = arith.cmpf ogt, %gt3A_275, %get3A_13 : vector<128x64xf32>
      %eq3A_277 = vector.broadcast %slice3A_274 : vector<128x1xf32> to vector<128x64xf32>
      %eq3A_278 = arith.cmpf oeq, %eq3A_277, %get3A_13 : vector<128x64xf32>
      %gt3A_279 = arith.constant 22 : i32
      %gt3A_280 = vector.broadcast %gt3A_279 : i32 to vector<128x64xi32>
      %gt3A_281 = arith.cmpi sgt, %iota3A, %gt3A_280 : vector<128x64xi32>
      %and3A_282 = arith.andi %eq3A_278, %gt3A_281 : vector<128x64xi1>
      %or3A_283 = arith.ori %gt3A_276, %and3A_282 : vector<128x64xi1>
      %convert_element_type3A_284 = arith.extui %or3A_283 : vector<128x64xi1> to vector<128x64xi32>
      %add3A_285 = arith.addi %add3A_273, %convert_element_type3A_284 : vector<128x64xi32>
      %slice3A_286 = vector.extract_strided_slice %get3A_13 {offsets = [0, 23], sizes = [128, 1], strides = [1, 1]} : vector<128x64xf32> to vector<128x1xf32>
      %gt3A_287 = vector.broadcast %slice3A_286 : vector<128x1xf32> to vector<128x64xf32>
      %gt3A_288 = arith.cmpf ogt, %gt3A_287, %get3A_13 : vector<128x64xf32>
      %eq3A_289 = vector.broadcast %slice3A_286 : vector<128x1xf32> to vector<128x64xf32>
      %eq3A_290 = arith.cmpf oeq, %eq3A_289, %get3A_13 : vector<128x64xf32>
      %gt3A_291 = arith.constant 23 : i32
      %gt3A_292 = vector.broadcast %gt3A_291 : i32 to vector<128x64xi32>
      %gt3A_293 = arith.cmpi sgt, %iota3A, %gt3A_292 : vector<128x64xi32>
      %and3A_294 = arith.andi %eq3A_290, %gt3A_293 : vector<128x64xi1>
      %or3A_295 = arith.ori %gt3A_288, %and3A_294 : vector<128x64xi1>
      %convert_element_type3A_296 = arith.extui %or3A_295 : vector<128x64xi1> to vector<128x64xi32>
      %add3A_297 = arith.addi %add3A_285, %convert_element_type3A_296 : vector<128x64xi32>
      %slice3A_298 = vector.extract_strided_slice %get3A_13 {offsets = [0, 24], sizes = [128, 1], strides = [1, 1]} : vector<128x64xf32> to vector<128x1xf32>
      %gt3A_299 = vector.broadcast %slice3A_298 : vector<128x1xf32> to vector<128x64xf32>
      %gt3A_300 = arith.cmpf ogt, %gt3A_299, %get3A_13 : vector<128x64xf32>
      %eq3A_301 = vector.broadcast %slice3A_298 : vector<128x1xf32> to vector<128x64xf32>
      %eq3A_302 = arith.cmpf oeq, %eq3A_301, %get3A_13 : vector<128x64xf32>
      %gt3A_303 = arith.constant 24 : i32
      %gt3A_304 = vector.broadcast %gt3A_303 : i32 to vector<128x64xi32>
      %gt3A_305 = arith.cmpi sgt, %iota3A, %gt3A_304 : vector<128x64xi32>
      %and3A_306 = arith.andi %eq3A_302, %gt3A_305 : vector<128x64xi1>
      %or3A_307 = arith.ori %gt3A_300, %and3A_306 : vector<128x64xi1>
      %convert_element_type3A_308 = arith.extui %or3A_307 : vector<128x64xi1> to vector<128x64xi32>
      %add3A_309 = arith.addi %add3A_297, %convert_element_type3A_308 : vector<128x64xi32>
      %slice3A_310 = vector.extract_strided_slice %get3A_13 {offsets = [0, 25], sizes = [128, 1], strides = [1, 1]} : vector<128x64xf32> to vector<128x1xf32>
      %gt3A_311 = vector.broadcast %slice3A_310 : vector<128x1xf32> to vector<128x64xf32>
      %gt3A_312 = arith.cmpf ogt, %gt3A_311, %get3A_13 : vector<128x64xf32>
      %eq3A_313 = vector.broadcast %slice3A_310 : vector<128x1xf32> to vector<128x64xf32>
      %eq3A_314 = arith.cmpf oeq, %eq3A_313, %get3A_13 : vector<128x64xf32>
      %gt3A_315 = arith.constant 25 : i32
      %gt3A_316 = vector.broadcast %gt3A_315 : i32 to vector<128x64xi32>
      %gt3A_317 = arith.cmpi sgt, %iota3A, %gt3A_316 : vector<128x64xi32>
      %and3A_318 = arith.andi %eq3A_314, %gt3A_317 : vector<128x64xi1>
      %or3A_319 = arith.ori %gt3A_312, %and3A_318 : vector<128x64xi1>
      %convert_element_type3A_320 = arith.extui %or3A_319 : vector<128x64xi1> to vector<128x64xi32>
      %add3A_321 = arith.addi %add3A_309, %convert_element_type3A_320 : vector<128x64xi32>
      %slice3A_322 = vector.extract_strided_slice %get3A_13 {offsets = [0, 26], sizes = [128, 1], strides = [1, 1]} : vector<128x64xf32> to vector<128x1xf32>
      %gt3A_323 = vector.broadcast %slice3A_322 : vector<128x1xf32> to vector<128x64xf32>
      %gt3A_324 = arith.cmpf ogt, %gt3A_323, %get3A_13 : vector<128x64xf32>
      %eq3A_325 = vector.broadcast %slice3A_322 : vector<128x1xf32> to vector<128x64xf32>
      %eq3A_326 = arith.cmpf oeq, %eq3A_325, %get3A_13 : vector<128x64xf32>
      %gt3A_327 = arith.constant 26 : i32
      %gt3A_328 = vector.broadcast %gt3A_327 : i32 to vector<128x64xi32>
      %gt3A_329 = arith.cmpi sgt, %iota3A, %gt3A_328 : vector<128x64xi32>
      %and3A_330 = arith.andi %eq3A_326, %gt3A_329 : vector<128x64xi1>
      %or3A_331 = arith.ori %gt3A_324, %and3A_330 : vector<128x64xi1>
      %convert_element_type3A_332 = arith.extui %or3A_331 : vector<128x64xi1> to vector<128x64xi32>
      %add3A_333 = arith.addi %add3A_321, %convert_element_type3A_332 : vector<128x64xi32>
      %slice3A_334 = vector.extract_strided_slice %get3A_13 {offsets = [0, 27], sizes = [128, 1], strides = [1, 1]} : vector<128x64xf32> to vector<128x1xf32>
      %gt3A_335 = vector.broadcast %slice3A_334 : vector<128x1xf32> to vector<128x64xf32>
      %gt3A_336 = arith.cmpf ogt, %gt3A_335, %get3A_13 : vector<128x64xf32>
      %eq3A_337 = vector.broadcast %slice3A_334 : vector<128x1xf32> to vector<128x64xf32>
      %eq3A_338 = arith.cmpf oeq, %eq3A_337, %get3A_13 : vector<128x64xf32>
      %gt3A_339 = arith.constant 27 : i32
      %gt3A_340 = vector.broadcast %gt3A_339 : i32 to vector<128x64xi32>
      %gt3A_341 = arith.cmpi sgt, %iota3A, %gt3A_340 : vector<128x64xi32>
      %and3A_342 = arith.andi %eq3A_338, %gt3A_341 : vector<128x64xi1>
      %or3A_343 = arith.ori %gt3A_336, %and3A_342 : vector<128x64xi1>
      %convert_element_type3A_344 = arith.extui %or3A_343 : vector<128x64xi1> to vector<128x64xi32>
      %add3A_345 = arith.addi %add3A_333, %convert_element_type3A_344 : vector<128x64xi32>
      %slice3A_346 = vector.extract_strided_slice %get3A_13 {offsets = [0, 28], sizes = [128, 1], strides = [1, 1]} : vector<128x64xf32> to vector<128x1xf32>
      %gt3A_347 = vector.broadcast %slice3A_346 : vector<128x1xf32> to vector<128x64xf32>
      %gt3A_348 = arith.cmpf ogt, %gt3A_347, %get3A_13 : vector<128x64xf32>
      %eq3A_349 = vector.broadcast %slice3A_346 : vector<128x1xf32> to vector<128x64xf32>
      %eq3A_350 = arith.cmpf oeq, %eq3A_349, %get3A_13 : vector<128x64xf32>
      %gt3A_351 = arith.constant 28 : i32
      %gt3A_352 = vector.broadcast %gt3A_351 : i32 to vector<128x64xi32>
      %gt3A_353 = arith.cmpi sgt, %iota3A, %gt3A_352 : vector<128x64xi32>
      %and3A_354 = arith.andi %eq3A_350, %gt3A_353 : vector<128x64xi1>
      %or3A_355 = arith.ori %gt3A_348, %and3A_354 : vector<128x64xi1>
      %convert_element_type3A_356 = arith.extui %or3A_355 : vector<128x64xi1> to vector<128x64xi32>
      %add3A_357 = arith.addi %add3A_345, %convert_element_type3A_356 : vector<128x64xi32>
      %slice3A_358 = vector.extract_strided_slice %get3A_13 {offsets = [0, 29], sizes = [128, 1], strides = [1, 1]} : vector<128x64xf32> to vector<128x1xf32>
      %gt3A_359 = vector.broadcast %slice3A_358 : vector<128x1xf32> to vector<128x64xf32>
      %gt3A_360 = arith.cmpf ogt, %gt3A_359, %get3A_13 : vector<128x64xf32>
      %eq3A_361 = vector.broadcast %slice3A_358 : vector<128x1xf32> to vector<128x64xf32>
      %eq3A_362 = arith.cmpf oeq, %eq3A_361, %get3A_13 : vector<128x64xf32>
      %gt3A_363 = arith.constant 29 : i32
      %gt3A_364 = vector.broadcast %gt3A_363 : i32 to vector<128x64xi32>
      %gt3A_365 = arith.cmpi sgt, %iota3A, %gt3A_364 : vector<128x64xi32>
      %and3A_366 = arith.andi %eq3A_362, %gt3A_365 : vector<128x64xi1>
      %or3A_367 = arith.ori %gt3A_360, %and3A_366 : vector<128x64xi1>
      %convert_element_type3A_368 = arith.extui %or3A_367 : vector<128x64xi1> to vector<128x64xi32>
      %add3A_369 = arith.addi %add3A_357, %convert_element_type3A_368 : vector<128x64xi32>
      %slice3A_370 = vector.extract_strided_slice %get3A_13 {offsets = [0, 30], sizes = [128, 1], strides = [1, 1]} : vector<128x64xf32> to vector<128x1xf32>
      %gt3A_371 = vector.broadcast %slice3A_370 : vector<128x1xf32> to vector<128x64xf32>
      %gt3A_372 = arith.cmpf ogt, %gt3A_371, %get3A_13 : vector<128x64xf32>
      %eq3A_373 = vector.broadcast %slice3A_370 : vector<128x1xf32> to vector<128x64xf32>
      %eq3A_374 = arith.cmpf oeq, %eq3A_373, %get3A_13 : vector<128x64xf32>
      %gt3A_375 = arith.constant 30 : i32
      %gt3A_376 = vector.broadcast %gt3A_375 : i32 to vector<128x64xi32>
      %gt3A_377 = arith.cmpi sgt, %iota3A, %gt3A_376 : vector<128x64xi32>
      %and3A_378 = arith.andi %eq3A_374, %gt3A_377 : vector<128x64xi1>
      %or3A_379 = arith.ori %gt3A_372, %and3A_378 : vector<128x64xi1>
      %convert_element_type3A_380 = arith.extui %or3A_379 : vector<128x64xi1> to vector<128x64xi32>
      %add3A_381 = arith.addi %add3A_369, %convert_element_type3A_380 : vector<128x64xi32>
      %slice3A_382 = vector.extract_strided_slice %get3A_13 {offsets = [0, 31], sizes = [128, 1], strides = [1, 1]} : vector<128x64xf32> to vector<128x1xf32>
      %gt3A_383 = vector.broadcast %slice3A_382 : vector<128x1xf32> to vector<128x64xf32>
      %gt3A_384 = arith.cmpf ogt, %gt3A_383, %get3A_13 : vector<128x64xf32>
      %eq3A_385 = vector.broadcast %slice3A_382 : vector<128x1xf32> to vector<128x64xf32>
      %eq3A_386 = arith.cmpf oeq, %eq3A_385, %get3A_13 : vector<128x64xf32>
      %gt3A_387 = arith.constant 31 : i32
      %gt3A_388 = vector.broadcast %gt3A_387 : i32 to vector<128x64xi32>
      %gt3A_389 = arith.cmpi sgt, %iota3A, %gt3A_388 : vector<128x64xi32>
      %and3A_390 = arith.andi %eq3A_386, %gt3A_389 : vector<128x64xi1>
      %or3A_391 = arith.ori %gt3A_384, %and3A_390 : vector<128x64xi1>
      %convert_element_type3A_392 = arith.extui %or3A_391 : vector<128x64xi1> to vector<128x64xi32>
      %add3A_393 = arith.addi %add3A_381, %convert_element_type3A_392 : vector<128x64xi32>
      %slice3A_394 = vector.extract_strided_slice %get3A_13 {offsets = [0, 32], sizes = [128, 1], strides = [1, 1]} : vector<128x64xf32> to vector<128x1xf32>
      %gt3A_395 = vector.broadcast %slice3A_394 : vector<128x1xf32> to vector<128x64xf32>
      %gt3A_396 = arith.cmpf ogt, %gt3A_395, %get3A_13 : vector<128x64xf32>
      %eq3A_397 = vector.broadcast %slice3A_394 : vector<128x1xf32> to vector<128x64xf32>
      %eq3A_398 = arith.cmpf oeq, %eq3A_397, %get3A_13 : vector<128x64xf32>
      %gt3A_399 = arith.constant 32 : i32
      %gt3A_400 = vector.broadcast %gt3A_399 : i32 to vector<128x64xi32>
      %gt3A_401 = arith.cmpi sgt, %iota3A, %gt3A_400 : vector<128x64xi32>
      %and3A_402 = arith.andi %eq3A_398, %gt3A_401 : vector<128x64xi1>
      %or3A_403 = arith.ori %gt3A_396, %and3A_402 : vector<128x64xi1>
      %convert_element_type3A_404 = arith.extui %or3A_403 : vector<128x64xi1> to vector<128x64xi32>
      %add3A_405 = arith.addi %add3A_393, %convert_element_type3A_404 : vector<128x64xi32>
      %slice3A_406 = vector.extract_strided_slice %get3A_13 {offsets = [0, 33], sizes = [128, 1], strides = [1, 1]} : vector<128x64xf32> to vector<128x1xf32>
      %gt3A_407 = vector.broadcast %slice3A_406 : vector<128x1xf32> to vector<128x64xf32>
      %gt3A_408 = arith.cmpf ogt, %gt3A_407, %get3A_13 : vector<128x64xf32>
      %eq3A_409 = vector.broadcast %slice3A_406 : vector<128x1xf32> to vector<128x64xf32>
      %eq3A_410 = arith.cmpf oeq, %eq3A_409, %get3A_13 : vector<128x64xf32>
      %gt3A_411 = arith.constant 33 : i32
      %gt3A_412 = vector.broadcast %gt3A_411 : i32 to vector<128x64xi32>
      %gt3A_413 = arith.cmpi sgt, %iota3A, %gt3A_412 : vector<128x64xi32>
      %and3A_414 = arith.andi %eq3A_410, %gt3A_413 : vector<128x64xi1>
      %or3A_415 = arith.ori %gt3A_408, %and3A_414 : vector<128x64xi1>
      %convert_element_type3A_416 = arith.extui %or3A_415 : vector<128x64xi1> to vector<128x64xi32>
      %add3A_417 = arith.addi %add3A_405, %convert_element_type3A_416 : vector<128x64xi32>
      %slice3A_418 = vector.extract_strided_slice %get3A_13 {offsets = [0, 34], sizes = [128, 1], strides = [1, 1]} : vector<128x64xf32> to vector<128x1xf32>
      %gt3A_419 = vector.broadcast %slice3A_418 : vector<128x1xf32> to vector<128x64xf32>
      %gt3A_420 = arith.cmpf ogt, %gt3A_419, %get3A_13 : vector<128x64xf32>
      %eq3A_421 = vector.broadcast %slice3A_418 : vector<128x1xf32> to vector<128x64xf32>
      %eq3A_422 = arith.cmpf oeq, %eq3A_421, %get3A_13 : vector<128x64xf32>
      %gt3A_423 = arith.constant 34 : i32
      %gt3A_424 = vector.broadcast %gt3A_423 : i32 to vector<128x64xi32>
      %gt3A_425 = arith.cmpi sgt, %iota3A, %gt3A_424 : vector<128x64xi32>
      %and3A_426 = arith.andi %eq3A_422, %gt3A_425 : vector<128x64xi1>
      %or3A_427 = arith.ori %gt3A_420, %and3A_426 : vector<128x64xi1>
      %convert_element_type3A_428 = arith.extui %or3A_427 : vector<128x64xi1> to vector<128x64xi32>
      %add3A_429 = arith.addi %add3A_417, %convert_element_type3A_428 : vector<128x64xi32>
      %slice3A_430 = vector.extract_strided_slice %get3A_13 {offsets = [0, 35], sizes = [128, 1], strides = [1, 1]} : vector<128x64xf32> to vector<128x1xf32>
      %gt3A_431 = vector.broadcast %slice3A_430 : vector<128x1xf32> to vector<128x64xf32>
      %gt3A_432 = arith.cmpf ogt, %gt3A_431, %get3A_13 : vector<128x64xf32>
      %eq3A_433 = vector.broadcast %slice3A_430 : vector<128x1xf32> to vector<128x64xf32>
      %eq3A_434 = arith.cmpf oeq, %eq3A_433, %get3A_13 : vector<128x64xf32>
      %gt3A_435 = arith.constant 35 : i32
      %gt3A_436 = vector.broadcast %gt3A_435 : i32 to vector<128x64xi32>
      %gt3A_437 = arith.cmpi sgt, %iota3A, %gt3A_436 : vector<128x64xi32>
      %and3A_438 = arith.andi %eq3A_434, %gt3A_437 : vector<128x64xi1>
      %or3A_439 = arith.ori %gt3A_432, %and3A_438 : vector<128x64xi1>
      %convert_element_type3A_440 = arith.extui %or3A_439 : vector<128x64xi1> to vector<128x64xi32>
      %add3A_441 = arith.addi %add3A_429, %convert_element_type3A_440 : vector<128x64xi32>
      %slice3A_442 = vector.extract_strided_slice %get3A_13 {offsets = [0, 36], sizes = [128, 1], strides = [1, 1]} : vector<128x64xf32> to vector<128x1xf32>
      %gt3A_443 = vector.broadcast %slice3A_442 : vector<128x1xf32> to vector<128x64xf32>
      %gt3A_444 = arith.cmpf ogt, %gt3A_443, %get3A_13 : vector<128x64xf32>
      %eq3A_445 = vector.broadcast %slice3A_442 : vector<128x1xf32> to vector<128x64xf32>
      %eq3A_446 = arith.cmpf oeq, %eq3A_445, %get3A_13 : vector<128x64xf32>
      %gt3A_447 = arith.constant 36 : i32
      %gt3A_448 = vector.broadcast %gt3A_447 : i32 to vector<128x64xi32>
      %gt3A_449 = arith.cmpi sgt, %iota3A, %gt3A_448 : vector<128x64xi32>
      %and3A_450 = arith.andi %eq3A_446, %gt3A_449 : vector<128x64xi1>
      %or3A_451 = arith.ori %gt3A_444, %and3A_450 : vector<128x64xi1>
      %convert_element_type3A_452 = arith.extui %or3A_451 : vector<128x64xi1> to vector<128x64xi32>
      %add3A_453 = arith.addi %add3A_441, %convert_element_type3A_452 : vector<128x64xi32>
      %slice3A_454 = vector.extract_strided_slice %get3A_13 {offsets = [0, 37], sizes = [128, 1], strides = [1, 1]} : vector<128x64xf32> to vector<128x1xf32>
      %gt3A_455 = vector.broadcast %slice3A_454 : vector<128x1xf32> to vector<128x64xf32>
      %gt3A_456 = arith.cmpf ogt, %gt3A_455, %get3A_13 : vector<128x64xf32>
      %eq3A_457 = vector.broadcast %slice3A_454 : vector<128x1xf32> to vector<128x64xf32>
      %eq3A_458 = arith.cmpf oeq, %eq3A_457, %get3A_13 : vector<128x64xf32>
      %gt3A_459 = arith.constant 37 : i32
      %gt3A_460 = vector.broadcast %gt3A_459 : i32 to vector<128x64xi32>
      %gt3A_461 = arith.cmpi sgt, %iota3A, %gt3A_460 : vector<128x64xi32>
      %and3A_462 = arith.andi %eq3A_458, %gt3A_461 : vector<128x64xi1>
      %or3A_463 = arith.ori %gt3A_456, %and3A_462 : vector<128x64xi1>
      %convert_element_type3A_464 = arith.extui %or3A_463 : vector<128x64xi1> to vector<128x64xi32>
      %add3A_465 = arith.addi %add3A_453, %convert_element_type3A_464 : vector<128x64xi32>
      %slice3A_466 = vector.extract_strided_slice %get3A_13 {offsets = [0, 38], sizes = [128, 1], strides = [1, 1]} : vector<128x64xf32> to vector<128x1xf32>
      %gt3A_467 = vector.broadcast %slice3A_466 : vector<128x1xf32> to vector<128x64xf32>
      %gt3A_468 = arith.cmpf ogt, %gt3A_467, %get3A_13 : vector<128x64xf32>
      %eq3A_469 = vector.broadcast %slice3A_466 : vector<128x1xf32> to vector<128x64xf32>
      %eq3A_470 = arith.cmpf oeq, %eq3A_469, %get3A_13 : vector<128x64xf32>
      %gt3A_471 = arith.constant 38 : i32
      %gt3A_472 = vector.broadcast %gt3A_471 : i32 to vector<128x64xi32>
      %gt3A_473 = arith.cmpi sgt, %iota3A, %gt3A_472 : vector<128x64xi32>
      %and3A_474 = arith.andi %eq3A_470, %gt3A_473 : vector<128x64xi1>
      %or3A_475 = arith.ori %gt3A_468, %and3A_474 : vector<128x64xi1>
      %convert_element_type3A_476 = arith.extui %or3A_475 : vector<128x64xi1> to vector<128x64xi32>
      %add3A_477 = arith.addi %add3A_465, %convert_element_type3A_476 : vector<128x64xi32>
      %slice3A_478 = vector.extract_strided_slice %get3A_13 {offsets = [0, 39], sizes = [128, 1], strides = [1, 1]} : vector<128x64xf32> to vector<128x1xf32>
      %gt3A_479 = vector.broadcast %slice3A_478 : vector<128x1xf32> to vector<128x64xf32>
      %gt3A_480 = arith.cmpf ogt, %gt3A_479, %get3A_13 : vector<128x64xf32>
      %eq3A_481 = vector.broadcast %slice3A_478 : vector<128x1xf32> to vector<128x64xf32>
      %eq3A_482 = arith.cmpf oeq, %eq3A_481, %get3A_13 : vector<128x64xf32>
      %gt3A_483 = arith.constant 39 : i32
      %gt3A_484 = vector.broadcast %gt3A_483 : i32 to vector<128x64xi32>
      %gt3A_485 = arith.cmpi sgt, %iota3A, %gt3A_484 : vector<128x64xi32>
      %and3A_486 = arith.andi %eq3A_482, %gt3A_485 : vector<128x64xi1>
      %or3A_487 = arith.ori %gt3A_480, %and3A_486 : vector<128x64xi1>
      %convert_element_type3A_488 = arith.extui %or3A_487 : vector<128x64xi1> to vector<128x64xi32>
      %add3A_489 = arith.addi %add3A_477, %convert_element_type3A_488 : vector<128x64xi32>
      %slice3A_490 = vector.extract_strided_slice %get3A_13 {offsets = [0, 40], sizes = [128, 1], strides = [1, 1]} : vector<128x64xf32> to vector<128x1xf32>
      %gt3A_491 = vector.broadcast %slice3A_490 : vector<128x1xf32> to vector<128x64xf32>
      %gt3A_492 = arith.cmpf ogt, %gt3A_491, %get3A_13 : vector<128x64xf32>
      %eq3A_493 = vector.broadcast %slice3A_490 : vector<128x1xf32> to vector<128x64xf32>
      %eq3A_494 = arith.cmpf oeq, %eq3A_493, %get3A_13 : vector<128x64xf32>
      %gt3A_495 = arith.constant 40 : i32
      %gt3A_496 = vector.broadcast %gt3A_495 : i32 to vector<128x64xi32>
      %gt3A_497 = arith.cmpi sgt, %iota3A, %gt3A_496 : vector<128x64xi32>
      %and3A_498 = arith.andi %eq3A_494, %gt3A_497 : vector<128x64xi1>
      %or3A_499 = arith.ori %gt3A_492, %and3A_498 : vector<128x64xi1>
      %convert_element_type3A_500 = arith.extui %or3A_499 : vector<128x64xi1> to vector<128x64xi32>
      %add3A_501 = arith.addi %add3A_489, %convert_element_type3A_500 : vector<128x64xi32>
      %slice3A_502 = vector.extract_strided_slice %get3A_13 {offsets = [0, 41], sizes = [128, 1], strides = [1, 1]} : vector<128x64xf32> to vector<128x1xf32>
      %gt3A_503 = vector.broadcast %slice3A_502 : vector<128x1xf32> to vector<128x64xf32>
      %gt3A_504 = arith.cmpf ogt, %gt3A_503, %get3A_13 : vector<128x64xf32>
      %eq3A_505 = vector.broadcast %slice3A_502 : vector<128x1xf32> to vector<128x64xf32>
      %eq3A_506 = arith.cmpf oeq, %eq3A_505, %get3A_13 : vector<128x64xf32>
      %gt3A_507 = arith.constant 41 : i32
      %gt3A_508 = vector.broadcast %gt3A_507 : i32 to vector<128x64xi32>
      %gt3A_509 = arith.cmpi sgt, %iota3A, %gt3A_508 : vector<128x64xi32>
      %and3A_510 = arith.andi %eq3A_506, %gt3A_509 : vector<128x64xi1>
      %or3A_511 = arith.ori %gt3A_504, %and3A_510 : vector<128x64xi1>
      %convert_element_type3A_512 = arith.extui %or3A_511 : vector<128x64xi1> to vector<128x64xi32>
      %add3A_513 = arith.addi %add3A_501, %convert_element_type3A_512 : vector<128x64xi32>
      %slice3A_514 = vector.extract_strided_slice %get3A_13 {offsets = [0, 42], sizes = [128, 1], strides = [1, 1]} : vector<128x64xf32> to vector<128x1xf32>
      %gt3A_515 = vector.broadcast %slice3A_514 : vector<128x1xf32> to vector<128x64xf32>
      %gt3A_516 = arith.cmpf ogt, %gt3A_515, %get3A_13 : vector<128x64xf32>
      %eq3A_517 = vector.broadcast %slice3A_514 : vector<128x1xf32> to vector<128x64xf32>
      %eq3A_518 = arith.cmpf oeq, %eq3A_517, %get3A_13 : vector<128x64xf32>
      %gt3A_519 = arith.constant 42 : i32
      %gt3A_520 = vector.broadcast %gt3A_519 : i32 to vector<128x64xi32>
      %gt3A_521 = arith.cmpi sgt, %iota3A, %gt3A_520 : vector<128x64xi32>
      %and3A_522 = arith.andi %eq3A_518, %gt3A_521 : vector<128x64xi1>
      %or3A_523 = arith.ori %gt3A_516, %and3A_522 : vector<128x64xi1>
      %convert_element_type3A_524 = arith.extui %or3A_523 : vector<128x64xi1> to vector<128x64xi32>
      %add3A_525 = arith.addi %add3A_513, %convert_element_type3A_524 : vector<128x64xi32>
      %slice3A_526 = vector.extract_strided_slice %get3A_13 {offsets = [0, 43], sizes = [128, 1], strides = [1, 1]} : vector<128x64xf32> to vector<128x1xf32>
      %gt3A_527 = vector.broadcast %slice3A_526 : vector<128x1xf32> to vector<128x64xf32>
      %gt3A_528 = arith.cmpf ogt, %gt3A_527, %get3A_13 : vector<128x64xf32>
      %eq3A_529 = vector.broadcast %slice3A_526 : vector<128x1xf32> to vector<128x64xf32>
      %eq3A_530 = arith.cmpf oeq, %eq3A_529, %get3A_13 : vector<128x64xf32>
      %gt3A_531 = arith.constant 43 : i32
      %gt3A_532 = vector.broadcast %gt3A_531 : i32 to vector<128x64xi32>
      %gt3A_533 = arith.cmpi sgt, %iota3A, %gt3A_532 : vector<128x64xi32>
      %and3A_534 = arith.andi %eq3A_530, %gt3A_533 : vector<128x64xi1>
      %or3A_535 = arith.ori %gt3A_528, %and3A_534 : vector<128x64xi1>
      %convert_element_type3A_536 = arith.extui %or3A_535 : vector<128x64xi1> to vector<128x64xi32>
      %add3A_537 = arith.addi %add3A_525, %convert_element_type3A_536 : vector<128x64xi32>
      %slice3A_538 = vector.extract_strided_slice %get3A_13 {offsets = [0, 44], sizes = [128, 1], strides = [1, 1]} : vector<128x64xf32> to vector<128x1xf32>
      %gt3A_539 = vector.broadcast %slice3A_538 : vector<128x1xf32> to vector<128x64xf32>
      %gt3A_540 = arith.cmpf ogt, %gt3A_539, %get3A_13 : vector<128x64xf32>
      %eq3A_541 = vector.broadcast %slice3A_538 : vector<128x1xf32> to vector<128x64xf32>
      %eq3A_542 = arith.cmpf oeq, %eq3A_541, %get3A_13 : vector<128x64xf32>
      %gt3A_543 = arith.constant 44 : i32
      %gt3A_544 = vector.broadcast %gt3A_543 : i32 to vector<128x64xi32>
      %gt3A_545 = arith.cmpi sgt, %iota3A, %gt3A_544 : vector<128x64xi32>
      %and3A_546 = arith.andi %eq3A_542, %gt3A_545 : vector<128x64xi1>
      %or3A_547 = arith.ori %gt3A_540, %and3A_546 : vector<128x64xi1>
      %convert_element_type3A_548 = arith.extui %or3A_547 : vector<128x64xi1> to vector<128x64xi32>
      %add3A_549 = arith.addi %add3A_537, %convert_element_type3A_548 : vector<128x64xi32>
      %slice3A_550 = vector.extract_strided_slice %get3A_13 {offsets = [0, 45], sizes = [128, 1], strides = [1, 1]} : vector<128x64xf32> to vector<128x1xf32>
      %gt3A_551 = vector.broadcast %slice3A_550 : vector<128x1xf32> to vector<128x64xf32>
      %gt3A_552 = arith.cmpf ogt, %gt3A_551, %get3A_13 : vector<128x64xf32>
      %eq3A_553 = vector.broadcast %slice3A_550 : vector<128x1xf32> to vector<128x64xf32>
      %eq3A_554 = arith.cmpf oeq, %eq3A_553, %get3A_13 : vector<128x64xf32>
      %gt3A_555 = arith.constant 45 : i32
      %gt3A_556 = vector.broadcast %gt3A_555 : i32 to vector<128x64xi32>
      %gt3A_557 = arith.cmpi sgt, %iota3A, %gt3A_556 : vector<128x64xi32>
      %and3A_558 = arith.andi %eq3A_554, %gt3A_557 : vector<128x64xi1>
      %or3A_559 = arith.ori %gt3A_552, %and3A_558 : vector<128x64xi1>
      %convert_element_type3A_560 = arith.extui %or3A_559 : vector<128x64xi1> to vector<128x64xi32>
      %add3A_561 = arith.addi %add3A_549, %convert_element_type3A_560 : vector<128x64xi32>
      %slice3A_562 = vector.extract_strided_slice %get3A_13 {offsets = [0, 46], sizes = [128, 1], strides = [1, 1]} : vector<128x64xf32> to vector<128x1xf32>
      %gt3A_563 = vector.broadcast %slice3A_562 : vector<128x1xf32> to vector<128x64xf32>
      %gt3A_564 = arith.cmpf ogt, %gt3A_563, %get3A_13 : vector<128x64xf32>
      %eq3A_565 = vector.broadcast %slice3A_562 : vector<128x1xf32> to vector<128x64xf32>
      %eq3A_566 = arith.cmpf oeq, %eq3A_565, %get3A_13 : vector<128x64xf32>
      %gt3A_567 = arith.constant 46 : i32
      %gt3A_568 = vector.broadcast %gt3A_567 : i32 to vector<128x64xi32>
      %gt3A_569 = arith.cmpi sgt, %iota3A, %gt3A_568 : vector<128x64xi32>
      %and3A_570 = arith.andi %eq3A_566, %gt3A_569 : vector<128x64xi1>
      %or3A_571 = arith.ori %gt3A_564, %and3A_570 : vector<128x64xi1>
      %convert_element_type3A_572 = arith.extui %or3A_571 : vector<128x64xi1> to vector<128x64xi32>
      %add3A_573 = arith.addi %add3A_561, %convert_element_type3A_572 : vector<128x64xi32>
      %slice3A_574 = vector.extract_strided_slice %get3A_13 {offsets = [0, 47], sizes = [128, 1], strides = [1, 1]} : vector<128x64xf32> to vector<128x1xf32>
      %gt3A_575 = vector.broadcast %slice3A_574 : vector<128x1xf32> to vector<128x64xf32>
      %gt3A_576 = arith.cmpf ogt, %gt3A_575, %get3A_13 : vector<128x64xf32>
      %eq3A_577 = vector.broadcast %slice3A_574 : vector<128x1xf32> to vector<128x64xf32>
      %eq3A_578 = arith.cmpf oeq, %eq3A_577, %get3A_13 : vector<128x64xf32>
      %gt3A_579 = arith.constant 47 : i32
      %gt3A_580 = vector.broadcast %gt3A_579 : i32 to vector<128x64xi32>
      %gt3A_581 = arith.cmpi sgt, %iota3A, %gt3A_580 : vector<128x64xi32>
      %and3A_582 = arith.andi %eq3A_578, %gt3A_581 : vector<128x64xi1>
      %or3A_583 = arith.ori %gt3A_576, %and3A_582 : vector<128x64xi1>
      %convert_element_type3A_584 = arith.extui %or3A_583 : vector<128x64xi1> to vector<128x64xi32>
      %add3A_585 = arith.addi %add3A_573, %convert_element_type3A_584 : vector<128x64xi32>
      %slice3A_586 = vector.extract_strided_slice %get3A_13 {offsets = [0, 48], sizes = [128, 1], strides = [1, 1]} : vector<128x64xf32> to vector<128x1xf32>
      %gt3A_587 = vector.broadcast %slice3A_586 : vector<128x1xf32> to vector<128x64xf32>
      %gt3A_588 = arith.cmpf ogt, %gt3A_587, %get3A_13 : vector<128x64xf32>
      %eq3A_589 = vector.broadcast %slice3A_586 : vector<128x1xf32> to vector<128x64xf32>
      %eq3A_590 = arith.cmpf oeq, %eq3A_589, %get3A_13 : vector<128x64xf32>
      %gt3A_591 = arith.constant 48 : i32
      %gt3A_592 = vector.broadcast %gt3A_591 : i32 to vector<128x64xi32>
      %gt3A_593 = arith.cmpi sgt, %iota3A, %gt3A_592 : vector<128x64xi32>
      %and3A_594 = arith.andi %eq3A_590, %gt3A_593 : vector<128x64xi1>
      %or3A_595 = arith.ori %gt3A_588, %and3A_594 : vector<128x64xi1>
      %convert_element_type3A_596 = arith.extui %or3A_595 : vector<128x64xi1> to vector<128x64xi32>
      %add3A_597 = arith.addi %add3A_585, %convert_element_type3A_596 : vector<128x64xi32>
      %slice3A_598 = vector.extract_strided_slice %get3A_13 {offsets = [0, 49], sizes = [128, 1], strides = [1, 1]} : vector<128x64xf32> to vector<128x1xf32>
      %gt3A_599 = vector.broadcast %slice3A_598 : vector<128x1xf32> to vector<128x64xf32>
      %gt3A_600 = arith.cmpf ogt, %gt3A_599, %get3A_13 : vector<128x64xf32>
      %eq3A_601 = vector.broadcast %slice3A_598 : vector<128x1xf32> to vector<128x64xf32>
      %eq3A_602 = arith.cmpf oeq, %eq3A_601, %get3A_13 : vector<128x64xf32>
      %gt3A_603 = arith.constant 49 : i32
      %gt3A_604 = vector.broadcast %gt3A_603 : i32 to vector<128x64xi32>
      %gt3A_605 = arith.cmpi sgt, %iota3A, %gt3A_604 : vector<128x64xi32>
      %and3A_606 = arith.andi %eq3A_602, %gt3A_605 : vector<128x64xi1>
      %or3A_607 = arith.ori %gt3A_600, %and3A_606 : vector<128x64xi1>
      %convert_element_type3A_608 = arith.extui %or3A_607 : vector<128x64xi1> to vector<128x64xi32>
      %add3A_609 = arith.addi %add3A_597, %convert_element_type3A_608 : vector<128x64xi32>
      %slice3A_610 = vector.extract_strided_slice %get3A_13 {offsets = [0, 50], sizes = [128, 1], strides = [1, 1]} : vector<128x64xf32> to vector<128x1xf32>
      %gt3A_611 = vector.broadcast %slice3A_610 : vector<128x1xf32> to vector<128x64xf32>
      %gt3A_612 = arith.cmpf ogt, %gt3A_611, %get3A_13 : vector<128x64xf32>
      %eq3A_613 = vector.broadcast %slice3A_610 : vector<128x1xf32> to vector<128x64xf32>
      %eq3A_614 = arith.cmpf oeq, %eq3A_613, %get3A_13 : vector<128x64xf32>
      %gt3A_615 = arith.constant 50 : i32
      %gt3A_616 = vector.broadcast %gt3A_615 : i32 to vector<128x64xi32>
      %gt3A_617 = arith.cmpi sgt, %iota3A, %gt3A_616 : vector<128x64xi32>
      %and3A_618 = arith.andi %eq3A_614, %gt3A_617 : vector<128x64xi1>
      %or3A_619 = arith.ori %gt3A_612, %and3A_618 : vector<128x64xi1>
      %convert_element_type3A_620 = arith.extui %or3A_619 : vector<128x64xi1> to vector<128x64xi32>
      %add3A_621 = arith.addi %add3A_609, %convert_element_type3A_620 : vector<128x64xi32>
      %slice3A_622 = vector.extract_strided_slice %get3A_13 {offsets = [0, 51], sizes = [128, 1], strides = [1, 1]} : vector<128x64xf32> to vector<128x1xf32>
      %gt3A_623 = vector.broadcast %slice3A_622 : vector<128x1xf32> to vector<128x64xf32>
      %gt3A_624 = arith.cmpf ogt, %gt3A_623, %get3A_13 : vector<128x64xf32>
      %eq3A_625 = vector.broadcast %slice3A_622 : vector<128x1xf32> to vector<128x64xf32>
      %eq3A_626 = arith.cmpf oeq, %eq3A_625, %get3A_13 : vector<128x64xf32>
      %gt3A_627 = arith.constant 51 : i32
      %gt3A_628 = vector.broadcast %gt3A_627 : i32 to vector<128x64xi32>
      %gt3A_629 = arith.cmpi sgt, %iota3A, %gt3A_628 : vector<128x64xi32>
      %and3A_630 = arith.andi %eq3A_626, %gt3A_629 : vector<128x64xi1>
      %or3A_631 = arith.ori %gt3A_624, %and3A_630 : vector<128x64xi1>
      %convert_element_type3A_632 = arith.extui %or3A_631 : vector<128x64xi1> to vector<128x64xi32>
      %add3A_633 = arith.addi %add3A_621, %convert_element_type3A_632 : vector<128x64xi32>
      %slice3A_634 = vector.extract_strided_slice %get3A_13 {offsets = [0, 52], sizes = [128, 1], strides = [1, 1]} : vector<128x64xf32> to vector<128x1xf32>
      %gt3A_635 = vector.broadcast %slice3A_634 : vector<128x1xf32> to vector<128x64xf32>
      %gt3A_636 = arith.cmpf ogt, %gt3A_635, %get3A_13 : vector<128x64xf32>
      %eq3A_637 = vector.broadcast %slice3A_634 : vector<128x1xf32> to vector<128x64xf32>
      %eq3A_638 = arith.cmpf oeq, %eq3A_637, %get3A_13 : vector<128x64xf32>
      %gt3A_639 = arith.constant 52 : i32
      %gt3A_640 = vector.broadcast %gt3A_639 : i32 to vector<128x64xi32>
      %gt3A_641 = arith.cmpi sgt, %iota3A, %gt3A_640 : vector<128x64xi32>
      %and3A_642 = arith.andi %eq3A_638, %gt3A_641 : vector<128x64xi1>
      %or3A_643 = arith.ori %gt3A_636, %and3A_642 : vector<128x64xi1>
      %convert_element_type3A_644 = arith.extui %or3A_643 : vector<128x64xi1> to vector<128x64xi32>
      %add3A_645 = arith.addi %add3A_633, %convert_element_type3A_644 : vector<128x64xi32>
      %slice3A_646 = vector.extract_strided_slice %get3A_13 {offsets = [0, 53], sizes = [128, 1], strides = [1, 1]} : vector<128x64xf32> to vector<128x1xf32>
      %gt3A_647 = vector.broadcast %slice3A_646 : vector<128x1xf32> to vector<128x64xf32>
      %gt3A_648 = arith.cmpf ogt, %gt3A_647, %get3A_13 : vector<128x64xf32>
      %eq3A_649 = vector.broadcast %slice3A_646 : vector<128x1xf32> to vector<128x64xf32>
      %eq3A_650 = arith.cmpf oeq, %eq3A_649, %get3A_13 : vector<128x64xf32>
      %gt3A_651 = arith.constant 53 : i32
      %gt3A_652 = vector.broadcast %gt3A_651 : i32 to vector<128x64xi32>
      %gt3A_653 = arith.cmpi sgt, %iota3A, %gt3A_652 : vector<128x64xi32>
      %and3A_654 = arith.andi %eq3A_650, %gt3A_653 : vector<128x64xi1>
      %or3A_655 = arith.ori %gt3A_648, %and3A_654 : vector<128x64xi1>
      %convert_element_type3A_656 = arith.extui %or3A_655 : vector<128x64xi1> to vector<128x64xi32>
      %add3A_657 = arith.addi %add3A_645, %convert_element_type3A_656 : vector<128x64xi32>
      %slice3A_658 = vector.extract_strided_slice %get3A_13 {offsets = [0, 54], sizes = [128, 1], strides = [1, 1]} : vector<128x64xf32> to vector<128x1xf32>
      %gt3A_659 = vector.broadcast %slice3A_658 : vector<128x1xf32> to vector<128x64xf32>
      %gt3A_660 = arith.cmpf ogt, %gt3A_659, %get3A_13 : vector<128x64xf32>
      %eq3A_661 = vector.broadcast %slice3A_658 : vector<128x1xf32> to vector<128x64xf32>
      %eq3A_662 = arith.cmpf oeq, %eq3A_661, %get3A_13 : vector<128x64xf32>
      %gt3A_663 = arith.constant 54 : i32
      %gt3A_664 = vector.broadcast %gt3A_663 : i32 to vector<128x64xi32>
      %gt3A_665 = arith.cmpi sgt, %iota3A, %gt3A_664 : vector<128x64xi32>
      %and3A_666 = arith.andi %eq3A_662, %gt3A_665 : vector<128x64xi1>
      %or3A_667 = arith.ori %gt3A_660, %and3A_666 : vector<128x64xi1>
      %convert_element_type3A_668 = arith.extui %or3A_667 : vector<128x64xi1> to vector<128x64xi32>
      %add3A_669 = arith.addi %add3A_657, %convert_element_type3A_668 : vector<128x64xi32>
      %slice3A_670 = vector.extract_strided_slice %get3A_13 {offsets = [0, 55], sizes = [128, 1], strides = [1, 1]} : vector<128x64xf32> to vector<128x1xf32>
      %gt3A_671 = vector.broadcast %slice3A_670 : vector<128x1xf32> to vector<128x64xf32>
      %gt3A_672 = arith.cmpf ogt, %gt3A_671, %get3A_13 : vector<128x64xf32>
      %eq3A_673 = vector.broadcast %slice3A_670 : vector<128x1xf32> to vector<128x64xf32>
      %eq3A_674 = arith.cmpf oeq, %eq3A_673, %get3A_13 : vector<128x64xf32>
      %gt3A_675 = arith.constant 55 : i32
      %gt3A_676 = vector.broadcast %gt3A_675 : i32 to vector<128x64xi32>
      %gt3A_677 = arith.cmpi sgt, %iota3A, %gt3A_676 : vector<128x64xi32>
      %and3A_678 = arith.andi %eq3A_674, %gt3A_677 : vector<128x64xi1>
      %or3A_679 = arith.ori %gt3A_672, %and3A_678 : vector<128x64xi1>
      %convert_element_type3A_680 = arith.extui %or3A_679 : vector<128x64xi1> to vector<128x64xi32>
      %add3A_681 = arith.addi %add3A_669, %convert_element_type3A_680 : vector<128x64xi32>
      %slice3A_682 = vector.extract_strided_slice %get3A_13 {offsets = [0, 56], sizes = [128, 1], strides = [1, 1]} : vector<128x64xf32> to vector<128x1xf32>
      %gt3A_683 = vector.broadcast %slice3A_682 : vector<128x1xf32> to vector<128x64xf32>
      %gt3A_684 = arith.cmpf ogt, %gt3A_683, %get3A_13 : vector<128x64xf32>
      %eq3A_685 = vector.broadcast %slice3A_682 : vector<128x1xf32> to vector<128x64xf32>
      %eq3A_686 = arith.cmpf oeq, %eq3A_685, %get3A_13 : vector<128x64xf32>
      %gt3A_687 = arith.constant 56 : i32
      %gt3A_688 = vector.broadcast %gt3A_687 : i32 to vector<128x64xi32>
      %gt3A_689 = arith.cmpi sgt, %iota3A, %gt3A_688 : vector<128x64xi32>
      %and3A_690 = arith.andi %eq3A_686, %gt3A_689 : vector<128x64xi1>
      %or3A_691 = arith.ori %gt3A_684, %and3A_690 : vector<128x64xi1>
      %convert_element_type3A_692 = arith.extui %or3A_691 : vector<128x64xi1> to vector<128x64xi32>
      %add3A_693 = arith.addi %add3A_681, %convert_element_type3A_692 : vector<128x64xi32>
      %slice3A_694 = vector.extract_strided_slice %get3A_13 {offsets = [0, 57], sizes = [128, 1], strides = [1, 1]} : vector<128x64xf32> to vector<128x1xf32>
      %gt3A_695 = vector.broadcast %slice3A_694 : vector<128x1xf32> to vector<128x64xf32>
      %gt3A_696 = arith.cmpf ogt, %gt3A_695, %get3A_13 : vector<128x64xf32>
      %eq3A_697 = vector.broadcast %slice3A_694 : vector<128x1xf32> to vector<128x64xf32>
      %eq3A_698 = arith.cmpf oeq, %eq3A_697, %get3A_13 : vector<128x64xf32>
      %gt3A_699 = arith.constant 57 : i32
      %gt3A_700 = vector.broadcast %gt3A_699 : i32 to vector<128x64xi32>
      %gt3A_701 = arith.cmpi sgt, %iota3A, %gt3A_700 : vector<128x64xi32>
      %and3A_702 = arith.andi %eq3A_698, %gt3A_701 : vector<128x64xi1>
      %or3A_703 = arith.ori %gt3A_696, %and3A_702 : vector<128x64xi1>
      %convert_element_type3A_704 = arith.extui %or3A_703 : vector<128x64xi1> to vector<128x64xi32>
      %add3A_705 = arith.addi %add3A_693, %convert_element_type3A_704 : vector<128x64xi32>
      %slice3A_706 = vector.extract_strided_slice %get3A_13 {offsets = [0, 58], sizes = [128, 1], strides = [1, 1]} : vector<128x64xf32> to vector<128x1xf32>
      %gt3A_707 = vector.broadcast %slice3A_706 : vector<128x1xf32> to vector<128x64xf32>
      %gt3A_708 = arith.cmpf ogt, %gt3A_707, %get3A_13 : vector<128x64xf32>
      %eq3A_709 = vector.broadcast %slice3A_706 : vector<128x1xf32> to vector<128x64xf32>
      %eq3A_710 = arith.cmpf oeq, %eq3A_709, %get3A_13 : vector<128x64xf32>
      %gt3A_711 = arith.constant 58 : i32
      %gt3A_712 = vector.broadcast %gt3A_711 : i32 to vector<128x64xi32>
      %gt3A_713 = arith.cmpi sgt, %iota3A, %gt3A_712 : vector<128x64xi32>
      %and3A_714 = arith.andi %eq3A_710, %gt3A_713 : vector<128x64xi1>
      %or3A_715 = arith.ori %gt3A_708, %and3A_714 : vector<128x64xi1>
      %convert_element_type3A_716 = arith.extui %or3A_715 : vector<128x64xi1> to vector<128x64xi32>
      %add3A_717 = arith.addi %add3A_705, %convert_element_type3A_716 : vector<128x64xi32>
      %slice3A_718 = vector.extract_strided_slice %get3A_13 {offsets = [0, 59], sizes = [128, 1], strides = [1, 1]} : vector<128x64xf32> to vector<128x1xf32>
      %gt3A_719 = vector.broadcast %slice3A_718 : vector<128x1xf32> to vector<128x64xf32>
      %gt3A_720 = arith.cmpf ogt, %gt3A_719, %get3A_13 : vector<128x64xf32>
      %eq3A_721 = vector.broadcast %slice3A_718 : vector<128x1xf32> to vector<128x64xf32>
      %eq3A_722 = arith.cmpf oeq, %eq3A_721, %get3A_13 : vector<128x64xf32>
      %gt3A_723 = arith.constant 59 : i32
      %gt3A_724 = vector.broadcast %gt3A_723 : i32 to vector<128x64xi32>
      %gt3A_725 = arith.cmpi sgt, %iota3A, %gt3A_724 : vector<128x64xi32>
      %and3A_726 = arith.andi %eq3A_722, %gt3A_725 : vector<128x64xi1>
      %or3A_727 = arith.ori %gt3A_720, %and3A_726 : vector<128x64xi1>
      %convert_element_type3A_728 = arith.extui %or3A_727 : vector<128x64xi1> to vector<128x64xi32>
      %add3A_729 = arith.addi %add3A_717, %convert_element_type3A_728 : vector<128x64xi32>
      %slice3A_730 = vector.extract_strided_slice %get3A_13 {offsets = [0, 60], sizes = [128, 1], strides = [1, 1]} : vector<128x64xf32> to vector<128x1xf32>
      %gt3A_731 = vector.broadcast %slice3A_730 : vector<128x1xf32> to vector<128x64xf32>
      %gt3A_732 = arith.cmpf ogt, %gt3A_731, %get3A_13 : vector<128x64xf32>
      %eq3A_733 = vector.broadcast %slice3A_730 : vector<128x1xf32> to vector<128x64xf32>
      %eq3A_734 = arith.cmpf oeq, %eq3A_733, %get3A_13 : vector<128x64xf32>
      %gt3A_735 = arith.constant 60 : i32
      %gt3A_736 = vector.broadcast %gt3A_735 : i32 to vector<128x64xi32>
      %gt3A_737 = arith.cmpi sgt, %iota3A, %gt3A_736 : vector<128x64xi32>
      %and3A_738 = arith.andi %eq3A_734, %gt3A_737 : vector<128x64xi1>
      %or3A_739 = arith.ori %gt3A_732, %and3A_738 : vector<128x64xi1>
      %convert_element_type3A_740 = arith.extui %or3A_739 : vector<128x64xi1> to vector<128x64xi32>
      %add3A_741 = arith.addi %add3A_729, %convert_element_type3A_740 : vector<128x64xi32>
      %slice3A_742 = vector.extract_strided_slice %get3A_13 {offsets = [0, 61], sizes = [128, 1], strides = [1, 1]} : vector<128x64xf32> to vector<128x1xf32>
      %gt3A_743 = vector.broadcast %slice3A_742 : vector<128x1xf32> to vector<128x64xf32>
      %gt3A_744 = arith.cmpf ogt, %gt3A_743, %get3A_13 : vector<128x64xf32>
      %eq3A_745 = vector.broadcast %slice3A_742 : vector<128x1xf32> to vector<128x64xf32>
      %eq3A_746 = arith.cmpf oeq, %eq3A_745, %get3A_13 : vector<128x64xf32>
      %gt3A_747 = arith.constant 61 : i32
      %gt3A_748 = vector.broadcast %gt3A_747 : i32 to vector<128x64xi32>
      %gt3A_749 = arith.cmpi sgt, %iota3A, %gt3A_748 : vector<128x64xi32>
      %and3A_750 = arith.andi %eq3A_746, %gt3A_749 : vector<128x64xi1>
      %or3A_751 = arith.ori %gt3A_744, %and3A_750 : vector<128x64xi1>
      %convert_element_type3A_752 = arith.extui %or3A_751 : vector<128x64xi1> to vector<128x64xi32>
      %add3A_753 = arith.addi %add3A_741, %convert_element_type3A_752 : vector<128x64xi32>
      %slice3A_754 = vector.extract_strided_slice %get3A_13 {offsets = [0, 62], sizes = [128, 1], strides = [1, 1]} : vector<128x64xf32> to vector<128x1xf32>
      %gt3A_755 = vector.broadcast %slice3A_754 : vector<128x1xf32> to vector<128x64xf32>
      %gt3A_756 = arith.cmpf ogt, %gt3A_755, %get3A_13 : vector<128x64xf32>
      %eq3A_757 = vector.broadcast %slice3A_754 : vector<128x1xf32> to vector<128x64xf32>
      %eq3A_758 = arith.cmpf oeq, %eq3A_757, %get3A_13 : vector<128x64xf32>
      %gt3A_759 = arith.constant 62 : i32
      %gt3A_760 = vector.broadcast %gt3A_759 : i32 to vector<128x64xi32>
      %gt3A_761 = arith.cmpi sgt, %iota3A, %gt3A_760 : vector<128x64xi32>
      %and3A_762 = arith.andi %eq3A_758, %gt3A_761 : vector<128x64xi1>
      %or3A_763 = arith.ori %gt3A_756, %and3A_762 : vector<128x64xi1>
      %convert_element_type3A_764 = arith.extui %or3A_763 : vector<128x64xi1> to vector<128x64xi32>
      %add3A_765 = arith.addi %add3A_753, %convert_element_type3A_764 : vector<128x64xi32>
      %slice3A_766 = vector.extract_strided_slice %get3A_13 {offsets = [0, 63], sizes = [128, 1], strides = [1, 1]} : vector<128x64xf32> to vector<128x1xf32>
      %gt3A_767 = vector.broadcast %slice3A_766 : vector<128x1xf32> to vector<128x64xf32>
      %gt3A_768 = arith.cmpf ogt, %gt3A_767, %get3A_13 : vector<128x64xf32>
      %eq3A_769 = vector.broadcast %slice3A_766 : vector<128x1xf32> to vector<128x64xf32>
      %eq3A_770 = arith.cmpf oeq, %eq3A_769, %get3A_13 : vector<128x64xf32>
      %gt3A_771 = arith.constant 63 : i32
      %gt3A_772 = vector.broadcast %gt3A_771 : i32 to vector<128x64xi32>
      %gt3A_773 = arith.cmpi sgt, %iota3A, %gt3A_772 : vector<128x64xi32>
      %and3A_774 = arith.andi %eq3A_770, %gt3A_773 : vector<128x64xi1>
      %or3A_775 = arith.ori %gt3A_768, %and3A_774 : vector<128x64xi1>
      %convert_element_type3A_776 = arith.extui %or3A_775 : vector<128x64xi1> to vector<128x64xi32>
      %add3A_777 = arith.addi %add3A_765, %convert_element_type3A_776 : vector<128x64xi32>
      %lt3A = arith.constant 8 : i32
      %lt3A_778 = vector.broadcast %lt3A : i32 to vector<128x64xi32>
      %lt3A_779 = arith.cmpi slt, %add3A_777, %lt3A_778 : vector<128x64xi32>
      %jit3A = arith.constant 0.000000e+00 : f32
      %broadcast_in_dim3A_780 = vector.broadcast %jit3A : f32 to vector<128x64xf32>
      %select_n3A = arith.select %lt3A_779, %get3A_13, %broadcast_in_dim3A_780 : vector<128x64xi1>, vector<128x64xf32>
      %reduce_max3A = arith.constant dense<0xFF800000> : vector<128xf32>
      %reduce_max3A_781 = vector.multi_reduction <maximumf>, %select_n3A, %reduce_max3A [1] : vector<128x64xf32> to vector<128xf32>
      %broadcast_in_dim3A_782 = vector.shape_cast %reduce_max3A_781 : vector<128xf32> to vector<128x1xf32>
      %sub3A = vector.broadcast %broadcast_in_dim3A_782 : vector<128x1xf32> to vector<128x64xf32>
      %sub3A_783 = arith.subf %select_n3A, %sub3A : vector<128x64xf32>
      %exp3A = math.exp %sub3A_783 : vector<128x64xf32>
      %reduce_sum3A = arith.constant dense<0.000000e+00> : vector<128xf32>
      %reduce_sum3A_784 = vector.multi_reduction <add>, %exp3A, %reduce_sum3A [1] : vector<128x64xf32> to vector<128xf32>
      %broadcast_in_dim3A_785 = vector.shape_cast %reduce_sum3A_784 : vector<128xf32> to vector<128x1xf32>
      %div3A = vector.broadcast %broadcast_in_dim3A_785 : vector<128x1xf32> to vector<128x64xf32>
      %div3A_786 = arith.divf %exp3A, %div3A : vector<128x64xf32>
      %lt3A_787 = arith.constant 9.99999974E-5 : f32
      %lt3A_788 = vector.broadcast %lt3A_787 : f32 to vector<128x64xf32>
      %lt3A_789 = arith.cmpf olt, %div3A_786, %lt3A_788 : vector<128x64xf32>
      %jit3A_790 = arith.constant 0.000000e+00 : f32
      %broadcast_in_dim3A_791 = vector.broadcast %jit3A_790 : f32 to vector<128x64xf32>
      %select_n3A_792 = arith.select %lt3A_789, %broadcast_in_dim3A_791, %div3A_786 : vector<128x64xi1>, vector<128x64xf32>
      %convert_element_type3A_793 = arith.truncf %select_n3A_792 : vector<128x64xf32> to vector<128x64xbf16>
      %swap3A_794 = arith.constant 0 : index
      %swap3A_795 = arith.constant 0 : index
      %swap3A_796 = vector.load %arg4[%swap3A_794, %swap3A_795] : memref<128x64xbf16, #tpu.memory_space<vmem>>, vector<128x64xbf16>
      tpu.vector_store %arg4[%swap3A_794, %swap3A_795], %convert_element_type3A_793 {strides = array<i32>} : memref<128x64xbf16, #tpu.memory_space<vmem>>, vector<128x64xbf16>,
    } else {
    }
    %get3A = arith.constant 0 : index
    %get3A_2 = arith.constant 0 : index
    %get3A_3 = vector.load %arg2[%get3A, %get3A_2] : memref<64x16384xf32, #tpu.memory_space<vmem>>, vector<64x16384xf32>
    %convert_element_type3A_4 = arith.truncf %get3A_3 : vector<64x16384xf32> to vector<64x16384xbf16>
    %get3A_5 = arith.constant 0 : index
    %get3A_6 = arith.constant 0 : index
    %get3A_7 = vector.load %arg4[%get3A_5, %get3A_6] : memref<128x64xbf16, #tpu.memory_space<vmem>>, vector<128x64xbf16>
    %dot_general3A = arith.constant dense<0.000000e+00> : vector<128x16384xf32>
    %dot_general3A_8 = tpu.matmul %get3A_7, %convert_element_type3A_4, %dot_general3A {dimension_numbers = #tpu.dot_dimension_numbers<[1], [0], [0], [1], [0, 0, 1, 1], [], []>, transpose_lhs_hint = false} : vector<128x64xbf16>, vector<64x16384xbf16>, vector<128x16384xf32> -> vector<128x16384xf32>
    %swap3A = arith.constant 0 : index
    %swap3A_9 = arith.constant 0 : index
    %swap3A_10 = vector.load %arg3[%swap3A, %swap3A_9] : memref<128x16384xf32, #tpu.memory_space<vmem>>, vector<128x16384xf32>
    tpu.vector_store %arg3[%swap3A, %swap3A_9], %dot_general3A_8 {strides = array<i32>} : memref<128x16384xf32, #tpu.memory_space<vmem>>, vector<128x16384xf32>,
    return
  }
  func.func @transform_0(%arg0: i32) -> (i32, i32) {
    %c0_i32 = arith.constant 0 : i32
    %c0_i32_0 = arith.constant 0 : i32
    %c0_i32_1 = arith.constant 0 : i32
    return %c0_i32, %c0_i32_0 : i32, i32
  }
  func.func @transform_1(%arg0: i32) -> (i32, i32) {
    %c0_i32 = arith.constant 0 : i32
    %c0_i32_0 = arith.constant 0 : i32
    return %c0_i32, %arg0 : i32, i32
  }
  func.func @transform_2(%arg0: i32) -> (i32, i32) {
    %c0_i32 = arith.constant 0 : i32
    %c0_i32_0 = arith.constant 0 : i32
    return %c0_i32, %arg0 : i32, i32
  }
}

</mosaic_0001>

<sc_bundles>
// kernel: sparse-core-data-format-call.1.cloned.1.call-start
scs
called_computation.1_lowered:
.L_overlay_start_0:
0x0: {  	s2 =	sld [smem:$0x3FD9]  }
0x1: {  	s3 =	sld [smem:$0x3FFE];
	_ =	sdelay $0x1  }
0x2: {  	s1 =	srdreg.scid  }
0x3: {  	s0 =	sand.u32 $0x1, s1  }
0x4: {  	s19 =	sshll.u32 s0, $0xA;
	s2 =	sadd.s32 s3, s2  }
0x5: {  	s2 =	sadd.s32 s2, s19  }
0x6: {  	[smem:$0x3FC6] =	sst s2  }
0x7: {  	_ = 	snop  }
0x8: {  	s2 =	sld [smem:$0x3FC8]  }
0x9: {  	s20 =	sld [smem:$0x3FD0];
	(tm) =	ssettm $0x1  }
0xa: {  	s4 =	sld [smem:$0x3FFB];
	_ =	sdelay $0x3  }
0xb: {  	_ =	strace s4  }
0xc: {  	s4 =	sld [smem:$0x3FFC];
	_ =	sdelay $0x3  }
0xd: {  	_ =	strace s4  }
0xe: {  	s4 =	sld [smem:$0x3FFD];
	_ =	sdelay $0x3  }
0xf: {  	_ =	strace s4  }
0x10: {  	_ =	strace $0x8FFFFFFF  }
0x11: {  	s21 =	sld [smem:$0x3FDB];
	_ =	sdelay $0x1  }
0x12: {  	s5 =	simm.s32 $_scs_section_size  }
0x13: {  	s6 =	simm.s32 $_size__tile_overlayer_lowered;
	s7 =	simm.s32 $_tile_overlayer_lowered  }
0x14: {  	s24 =	simm.s32 $0x1BFF;
	s23 =	sshll.u32 s7, $0x1;
	s4 =	sadd.s32 s5, s21  }
0x15: {  	s8 =	simm.s32 $0x0;
	s22 =	sshll.u32 s6, $0x1;
	s6 =	sadd.s32 s23, s4  }
0x16: {  	[timem:s8], [sflag:s24] =	dma.local [hbm:s6], s22  }
0x17: {  	_ =	swait.ge [sflag:s24], s22  }
0x18: {  	s5 =	ssub.s32 $0x0, s22;
	[sflag:s24] =	ssyncset.done $0x0  }
0x19: {  	[sflag:s24] =	ssyncadd.s32 s5;
	_ =	sdelay $0x1  }
0x1a: {  	s25 =	simm.s32 $0x1B8B  }
0x1b: {  	_ =	swait.ge [sflag:s25], $0x1  }
0x1c: {  	[sflag:s25] =	ssyncset.done $0x0  }
0x1d: {  	s26 =	simm.s32 $0x1B8E;
	[sflag:s25] =	ssyncadd.s32 $0xFFFFFFFF  }
0x1e: {  	s27 =	simm.s32 $execute0_lowered;
	[smem:$0x3FD2] =	sst s26  }
0x1f: {  	s5 =	sshll.u32 s27, $0x1;
	_ =	strace $0x80000046;
	[dreg:$0x1] =	wrdreg $0xFFFFFFFF  }
0x20: {  	s28 =	simm.s32 $_size_execute0_lowered;
	s4 =	sadd.s32 s4, s5;
	[dreg:$0x0] =	wrdreg $0x0  }
0x21: {  	s5 =	sshll.u32 s28, $0x1;
	[dreg:$0x2] =	wrdreg s4  }
0x22: {  	[dreg:$0x3] =	wrdreg s5  }
0x23: {  	[dreg:$0x4] =	wrdreg $0xC0  }
0x24: {  	_ =	task [dreg:s8], $0x5FFFF  }
0x25: {  	[dreg:$0x1] =	wrdreg $0xFFFFFFFF  }
0x26: {  	[dreg:$0x0] =	wrdreg $0x60  }
0x27: {  	[dreg:$0x2] =	wrdreg s2  }
0x28: {  	[dreg:$0x3] =	wrdreg s20  }
0x29: {  	[dreg:$0x4] =	wrdreg $0x9  }
0x2a: {  	_ =	task.clear_ibuf [dreg:s8], $0x5FFFF;
	_ =	strace $0x90000046  }
0x2b: {  	s29 =	simm.s32 $0x9;
	_ =	strace $0x80000048  }
0x2c: {  	_ =	swait.ge [sflag:s29], $0x1  }
0x2d: {  	[sflag:s29] =	ssyncadd.s32 $0xFFFFFFFF  }
0x2e: {  	_ =	strace $0x90000048  }
0x2f: {  	_ =	sfence  }
0x30: {  	s30 =	sld [smem:$0x0];
	_ =	sdelay $0x2  }
0x31: {  	s31 =	sshll.u32 s1, $0xD;
	s1 =	sshrl.u32 s1, $0x2  }
0x32: {  	s3 =	sand.u32 $0x4000, s31;
	s1 =	sadd.s32 s1, s30  }
0x33: {  	s0 =	sor.u32 s3, s0;
	s1 =	sshll.u32 s1, $0x11  }
0x34: {  	s0 =	sor.u32 s1, s0  }
0x35: {  	s0 =	sadd.s32 $0x8F2B, s0  }
0x36: {  	[sflag:s0] =	ssyncadd.remote.s32 $0x1  }
0x37: {  	_ =	sfence.sel $0xFFFF  }
0x38: {  	[dreg:$0x0] =	wrdreg $0xFFFFFFFF;
	(pc) =	sbr.abs _section_cstart, $3  }
0x39: {  	[dreg:$0x1] =	wrdreg $0xFFFFFFFF  }
0x3a: {  	_ =	task.clear_ibuf [dreg:s8], $0x2FFFF;
	_ =	strace $0x9FFFFFFF  }
0x3b: {  	(tm) =	ssettm $0x7FFFFFFF  }
tec
execute0_lowered:
.L_overlay_start_1:
0x0: {  	(tag) =	ssettag $0x1  }
0x1: {  	s2 =	rddreg [dreg:$0x0]  }
0x2: {  	s3 =	rddreg [dreg:$0x1]  }
0x3: {  	s0 =	rddreg [dreg:$0x2]  }
0x4: {  	s1 =	srdreg.scid;
	_ =	strace $0x80000047;
	s7 =	simm.s32 $0x2  }
0x5: {  	s13 =	simm.s32 $0x0;
	p0 =	por $0x0, $0x0;
	s14 =	simm.s32 $0x0  }
0x6: {  	s16 =	simm.s32 $0x0;
	s15 =	simm.s32 $0x0;
	s9 =	simm.s32 $0x0  }
.Ltmp0:
0x7: {  	s10 =	simm.s32 $0x0;
	s4 =	sshll.u32 s1, $0x4;
	(pc) =	sbr.rel .LBB1_1-.Ltmp0, $4  }
0x8: {  	s1 =	stileid.u32;
	s5 =	sand.u32 $0x10, s4;
	s4 =	simm.s32 $0x1  }
0x9: {  	s8 =	simm.s32 $0x0;
	s6 =	sor.u32 s1, s5;
	[sflag:s4] =	ssyncpa.u1 $0x0  }
0xa: {  	s5 =	sand.u32 $0x7, s1;
	s6 =	sshrl.u32 s6, $0x3;
	[sflag:s7] =	ssyncpa.u1 $0x0  }
0xb: {  	s7 =	simm.s32 $0x1000;
	s12 =	smov.u32 s5;
	s11 =	smov.u32 s6  }
.LBB1_5:
0xc: {  	s17 =	sadd.s32 $0x80, s9  }
0xd: {  	s13 =	sadd.s32 $0x80, s10;
	s18 =	smov.u32 s10;
	p2 =	sgt.s32 s17, $0x1FF  }
0xe: {  	s18 =	smov.u32 @p2 s13  }
0xf: {  	s19 =	smov.u32 s11;
	s13 =	sadd.s32 $0x4, s11;
	p3 =	sgt.s32 s18, $0x1FF  }
0x10: {  	s19 =	smov.u32 @p3 s13  }
0x11: {  	s20 =	smov.u32 s12;
	s13 =	sadd.s32 $0x8, s12;
	p4 =	sgt.s32 s19, $0x7  }
0x12: {  	p1 =	slt.u32 s8, $0x2;
	s20 =	smov.u32 @p4 s13  }
0x13: {  	s8 =	sadd.s32 $0x1, s8;
	s17 =	simm.s32 @p2 $0x0;
	p2 =	sgt.s32 s20, $0x7  }
0x14: {  	s21 =	simm.s32 @!p1 $0x2;
	s20 =	smov.u32 @p2 s5;
	p2 =	sne.s32 s8, $0x22  }
.Ltmp1:
0x15: {  	s14 =	smov.u32 s10;
	_ =	swait.ge @!p1 [sflag:s21], $0x4000;
	(pc) =	sbr.rel @!p2 .LBB1_6-.Ltmp1, $4  }
0x16: {  	s16 =	smov.u32 s11;
	s15 =	smov.u32 s12;
	[sflag:s21] =	ssyncset.done @!p1 $0x0  }
0x17: {  	p0 =	por !p0, !p0;
	s18 =	simm.s32 @p3 $0x0;
	[sflag:s21] =	ssyncadd.s32 @!p1 $0xFFFFC000  }
0x18: {  	s10 =	smov.u32 s18;
	s19 =	smov.u32 @p4 s6;
	s13 =	smov.u32 s9  }
0x19: {  	s9 =	smov.u32 s17;
	s11 =	smov.u32 s19;
	s12 =	smov.u32 s20  }
.LBB1_1:
0x1a: {  	p1 =	sgt.u32 s8, $0x1F  }
0x1b: {  	s17 =	sxor.u32 @!p1 $0xFFFFFFFF, s8;
	s18 =	sand.u32 @!p1 $0x78, s9;
	s19 =	sshll.u32 @!p1 s10, $0x9  }
0x1c: {  	s20 =	sshll.u32 @!p1 s9, $0x3;
	s21 =	sshll.u32 @!p1 s10, $0x7;
	s17 =	sshll.u32 @!p1 s17, $0xE  }
0x1d: {  	s19 =	sand.u32 @!p1 $0x3F000, s19;
	s20 =	sand.u32 @!p1 $0x3FC00, s20;
	s17 =	sand.u32 @!p1 $0x4000, s17  }
0x1e: {  	s19 =	sadd.s32 @!p1 s19, s20;
	s20 =	sand.u32 @!p1 $0x200, s21;
	s21 =	sand.u32 @!p1 $0x180, s21  }
0x1f: {  	s19 =	sor.u32 @!p1 s20, s19;
	s18 =	sor.u32 @!p1 s18, s21;
	s20 =	sshll.u32 @!p1 s12, $0x12  }
0x20: {  	s21 =	sshll.u32 @!p1 s11, $0xF;
	s19 =	sshrl.u32 @!p1 s19, $0x3;
	s20 =	sadd.s32 @!p1 s2, s20  }
0x21: {  	s18 =	sshrl.u32 @!p1 s18, $0x3;
	s20 =	sadd.s32 @!p1 s21, s20;
	s21 =	sand.u32 @!p1 $0x7, s9  }
0x22: {  	s19 =	sand.u32 @!p1 $0x7FC0, s19;
	s18 =	sadd.s32 @!p1 s18, s20;
	s20 =	sshll.u32 @!p1 s21, $0x12  }
0x23: {  	s18 =	sadd.s32 @!p1 s19, s18;
	s19 =	sor.u32 @!p1 $0x400, s20;
	s20 =	simm.s32 @!p1 $0x1000  }
0x24: {  	[tilespmem:s17], [sflag:$0x1] =	stream.strided.gather @!p1 [hbm4b:s18+s19], $0x4000, s20, s19, $0x38;
	[tilespmem:$0x10000] =	vst v63  }
0x25: {  	p1 =	seq.s32 s8, $0x0  }
0x26: {  	p2 =	seq.s32 @!p1 s8, $0x21  }
0x27: {  	p1 =	por p1, p2  }
.Ltmp2:
0x28: {  	_ = 	snop;
	(pc) =	sbr.rel @p1 .LBB1_5-.Ltmp2, $1  }
0x29: {  	_ =	sdelay $0x3  }
0x2a: {  	s17 =	simm.s32 $0x1  }
0x2b: {  	s17 =	simm.s32 @!p0 $0x0  }
0x2c: {  	s17 =	sshll.u32 s17, $0xE  }
0x2d: {  	s18 =	sor.u32 $0x40, s17  }
0x2e: {  	v1 =	vmov s18;
	_ =	sdelay $0x1  }
0x2f: {  	_ =	swait.ge [sflag:s4], $0x4000  }
0x30: {  	[sflag:s4] =	ssyncset.done $0x0  }
0x31: {  	s19 =	simm.s32 $0x0;
	[sflag:s4] =	ssyncadd.s32 $0xFFFFC000  }
0x32: {  	s17 =	sor.u32 $0x8070, s17;
	v7 =	vld.idx.msk [tilespmem:v1+s19+$0x30 ss:$0x1], $0xffff  }
0x33: {  	v0 =	vmov s17;
	v8 =	vld.idx.msk [tilespmem:v1+s19+$0xFFFFFFC0 ss:$0x1], $0xffff  }
0x34: {  	v6 =	vld.idx.msk [tilespmem:v1+s19+$0xFFFFFFD0 ss:$0x1], $0xffff  }
0x35: {  	v4 =	vld.idx.msk [tilespmem:v1+s19+$0xFFFFFFE0 ss:$0x1], $0xffff  }
0x36: {  	v2 =	vld.idx.msk [tilespmem:v1+s19+$0xFFFFFFF0 ss:$0x1], $0xffff  }
0x37: {  	s31 =	sshll.u32 s8, $0xE;
	v3 =	vld.idx.msk [tilespmem:v1+s19+$0x0 ss:$0x1], $0xffff  }
0x38: {  	s17 =	sand.u32 $0x4000, s31;
	v5 =	vld.idx.msk [tilespmem:v1+s19+$0x10 ss:$0x1], $0xffff;
	[tilespmem:v0+s19+$0x0 ss:$0x1] =	vst.idx.msk $0xffff, v7  }
0x39: {  	s20 =	simm.s32 $0x400;
	s18 =	simm.s32 $0x80;
	s17 =	sor.u32 $0x8000, s17;
	[tilespmem:v0+s19+$0xFFFFFF90 ss:$0x1] =	vst.idx.msk $0xffff, v8;
	v7 =	vld.idx.msk [tilespmem:v1+s19+$0x20 ss:$0x1], $0xffff  }
.LBB1_3:
0x3a: {  	p1 =	sne.s32 s20, $0xFE00;
	v8 =	vld.idx.msk [tilespmem:v1+s18+$0x30 ss:$0x1], $0xffff;
	[tilespmem:v0+s19+$0xFFFFFFA0 ss:$0x1] =	vst.idx.msk $0xffff, v6  }
0x3b: {  	v9 =	vld.idx.msk [tilespmem:v1+s18+$0xFFFFFFC0 ss:$0x1], $0xffff;
	[tilespmem:v0+s19+$0xFFFFFFB0 ss:$0x1] =	vst.idx.msk $0xffff, v4  }
0x3c: {  	v6 =	vld.idx.msk [tilespmem:v1+s18+$0xFFFFFFD0 ss:$0x1], $0xffff;
	[tilespmem:v0+s19+$0xFFFFFFC0 ss:$0x1] =	vst.idx.msk $0xffff, v2  }
.Ltmp3:
0x3d: {  	v4 =	vld.idx.msk [tilespmem:v1+s18+$0xFFFFFFE0 ss:$0x1], $0xffff;
	[tilespmem:v0+s19+$0xFFFFFFD0 ss:$0x1] =	vst.idx.msk $0xffff, v3;
	(pc) =	sbr.rel @p1 .LBB1_3-.Ltmp3, $4  }
0x3e: {  	v2 =	vld.idx.msk [tilespmem:v1+s18+$0xFFFFFFF0 ss:$0x1], $0xffff;
	[tilespmem:v0+s19+$0xFFFFFFE0 ss:$0x1] =	vst.idx.msk $0xffff, v5  }
0x3f: {  	v3 =	vld.idx.msk [tilespmem:v1+s18+$0x0 ss:$0x1], $0xffff;
	[tilespmem:v0+s19+$0xFFFFFFF0 ss:$0x1] =	vst.idx.msk $0xffff, v7;
	s19 =	smov.u32 s18  }
0x40: {  	v5 =	vld.idx.msk [tilespmem:v1+s19+$0x10 ss:$0x1], $0xffff;
	[tilespmem:v0+s19+$0x0 ss:$0x1] =	vst.idx.msk $0xffff, v8  }
0x41: {  	s18 =	sshra.s32 s20, $0x2;
	s20 =	sadd.s32 $0x200, s20;
	[tilespmem:v0+s19+$0xFFFFFF90 ss:$0x1] =	vst.idx.msk $0xffff, v9;
	v7 =	vld.idx.msk [tilespmem:v1+s19+$0x20 ss:$0x1], $0xffff  }
0x42: {  	_ =	sdelay $0x3  }
0x43: {  	[tilespmem:v0+s19+$0xFFFFFFA0 ss:$0x1] =	vst.idx.msk $0xffff, v6  }
0x44: {  	v56 =	vld.idx.msk [tilespmem:v1+s18+$0x30 ss:$0x1], $0xffff;
	[tilespmem:v0+s19+$0xFFFFFFB0 ss:$0x1] =	vst.idx.msk $0xffff, v4  }
0x45: {  	v57 =	vld.idx.msk [tilespmem:v1+s18+$0xFFFFFFC0 ss:$0x1], $0xffff;
	[tilespmem:v0+s19+$0xFFFFFFC0 ss:$0x1] =	vst.idx.msk $0xffff, v2  }
0x46: {  	v58 =	vld.idx.msk [tilespmem:v1+s18+$0xFFFFFFD0 ss:$0x1], $0xffff;
	[tilespmem:v0+s19+$0xFFFFFFD0 ss:$0x1] =	vst.idx.msk $0xffff, v3  }
0x47: {  	v59 =	vld.idx.msk [tilespmem:v1+s18+$0xFFFFFFE0 ss:$0x1], $0xffff;
	[tilespmem:v0+s19+$0xFFFFFFE0 ss:$0x1] =	vst.idx.msk $0xffff, v5  }
0x48: {  	v60 =	vld.idx.msk [tilespmem:v1+s18+$0xFFFFFFF0 ss:$0x1], $0xffff;
	[tilespmem:v0+s19+$0xFFFFFFF0 ss:$0x1] =	vst.idx.msk $0xffff, v7  }
0x49: {  	v61 =	vld.idx.msk [tilespmem:v1+s18+$0x0 ss:$0x1], $0xffff;
	[tilespmem:v0+s18+$0x0 ss:$0x1] =	vst.idx.msk $0xffff, v56  }
0x4a: {  	v62 =	vld.idx.msk [tilespmem:v1+s18+$0x10 ss:$0x1], $0xffff;
	[tilespmem:v0+s18+$0xFFFFFF90 ss:$0x1] =	vst.idx.msk $0xffff, v57  }
0x4b: {  	s16 =	sshll.u32 s16, $0x7;
	v63 =	vld.idx.msk [tilespmem:v1+s18+$0x20 ss:$0x1], $0xffff;
	s29 =	sand.u32 $0x78, s13;
	s30 =	sshll.u32 s13, $0x3;
	[tilespmem:v0+s18+$0xFFFFFFA0 ss:$0x1] =	vst.idx.msk $0xffff, v58  }
0x4c: {  	s15 =	sshll.u32 s15, $0x12;
	s14 =	sshll.u32 s14, $0x9;
	s16 =	sand.u32 $0x380, s16;
	[tilespmem:v0+s18+$0xFFFFFFB0 ss:$0x1] =	vst.idx.msk $0xffff, v59  }
.Ltmp4:
0x4d: {  	s16 =	sor.u32 s29, s16;
	s19 =	sand.u32 $0xC00, s30;
	[tilespmem:v0+s18+$0xFFFFFFC0 ss:$0x1] =	vst.idx.msk $0xffff, v60;
	(pc) =	sbr.rel .LBB1_5-.Ltmp4, $4  }
0x4e: {  	s31 =	sand.u32 $0x7, s13;
	s15 =	sadd.s32 s3, s15;
	[tilespmem:v0+s18+$0xFFFFFFD0 ss:$0x1] =	vst.idx.msk $0xffff, v61;
	s16 =	sor.u32 s19, s16  }
0x4f: {  	s13 =	sshll.u32 s31, $0x12;
	s14 =	sadd.s32 s14, s15;
	[tilespmem:v0+s18+$0xFFFFFFE0 ss:$0x1] =	vst.idx.msk $0xffff, v62;
	s16 =	sshrl.u32 s16, $0x3  }
0x50: {  	s13 =	sor.u32 $0x80, s13;
	[tilespmem:v0+s18+$0xFFFFFFF0 ss:$0x1] =	vst.idx.msk $0xffff, v63;
	s14 =	sadd.s32 s16, s14  }
0x51: {  	[hbm4b:s14+s13] =	stream.strided.scatter [tilespmem:s17], [sflag:$0x2], $0x4000, s7, s13, $0x38;
	[tilespmem:$0x10000] =	vst v63  }
.LBB1_6:
0x52: {  	_ =	sfence.sel $0x180000  }
0x53: {  	s2 =	simm.s32 $0x1;
	[bflag:$0x0] =	sbarrier.arrive $0xFFFF  }
0x54: {  	s31 =	simm.s32 $0x2;
	[sflag:s2] =	ssyncpa.u1 $0x1  }
0x55: {  	[sflag:s31] =	ssyncpa.u1 $0x1  }
0x56: {  	p0 =	sne.s32 s1, $0x0;
	_ =	strace $0x90000047  }
0x57: {  	s0 =	sadd.s32 @!p0 $0x100000, s0;
	[bflag:$0x2] =	sbarrier.arrive $0xFFFF  }
0x58: {  	[sflag:s0] =	ssyncadd.tile.s32 @!p0 $0x1;
	_ =	shalt  }
.Lfunc_end1:
_tile_overlayer_lowered:
.L_overlay_start_2:
0x59: {  	(tag) =	ssettag $0x2  }
0x5a: {  	s0 =	rddreg [dreg:$0x0];
	s2 =	stileid.u32  }
0x5b: {  	s1 =	rddreg [dreg:$0x1];
	p0 =	sne.s32 s2, $0x0  }
0x5c: {  	s3 =	rddreg [dreg:$0x2];
	[bflag:$0x3] =	sbarrier.arrive $0xFFFF;
	s2 =	simm.s32 @!p0 $0x1C01  }
0x5d: {  	[timem:s3], [sflag:s2] =	dma.local @!p0 [hbm:s0], s1  }
0x5e: {  	s0 =	simm.s32 @!p0 $0x1  }
0x5f: {  	_ =	swait.ge @!p0 [sflag:s0], s1  }
0x60: {  	s1 =	ssub.s32 @!p0 $0x0, s1;
	[sflag:s0] =	ssyncset.done @!p0 $0x0  }
0x61: {  	[sflag:s0] =	ssyncadd.s32 @!p0 s1  }
0x62: {  	[bflag:$0x3] =	sbarrier.arrive $0xFFFF  }
0x63: {  	_ =	shalt  }

// kernel: sparse-core-data-format-call.cloned.1.call-start
scs
called_computation_lowered:
.L_overlay_start_0:
0x0: {  	s2 =	sld [smem:$0x3FD9]  }
0x1: {  	s3 =	sld [smem:$0x3FFE];
	_ =	sdelay $0x1  }
0x2: {  	s1 =	srdreg.scid  }
0x3: {  	s0 =	sand.u32 $0x1, s1  }
0x4: {  	s18 =	sshll.u32 s0, $0xA;
	s2 =	sadd.s32 s3, s2  }
0x5: {  	s2 =	sadd.s32 s2, s18  }
0x6: {  	[smem:$0x3FC6] =	sst s2  }
0x7: {  	_ = 	snop  }
0x8: {  	s2 =	sld [smem:$0x3FD0];
	(tm) =	ssettm $0x1  }
0x9: {  	s19 =	sld [smem:$0x3FFB];
	_ =	sdelay $0x3  }
0xa: {  	_ =	strace s19  }
0xb: {  	s3 =	sld [smem:$0x3FFC];
	_ =	sdelay $0x3  }
0xc: {  	_ =	strace s3  }
0xd: {  	s3 =	sld [smem:$0x3FFD];
	_ =	sdelay $0x3  }
0xe: {  	_ =	strace s3  }
0xf: {  	_ =	strace $0x8FFFFFFF  }
0x10: {  	s20 =	sld [smem:$0x3FDB];
	_ =	sdelay $0x1  }
0x11: {  	s4 =	simm.s32 $_scs_section_size  }
0x12: {  	s5 =	simm.s32 $_size__tile_overlayer_lowered;
	s6 =	simm.s32 $_tile_overlayer_lowered  }
0x13: {  	s23 =	simm.s32 $0x1BFF;
	s22 =	sshll.u32 s6, $0x1;
	s3 =	sadd.s32 s4, s20  }
0x14: {  	s7 =	simm.s32 $0x0;
	s21 =	sshll.u32 s5, $0x1;
	s5 =	sadd.s32 s22, s3  }
0x15: {  	[timem:s7], [sflag:s23] =	dma.local [hbm:s5], s21  }
0x16: {  	_ =	swait.ge [sflag:s23], s21  }
0x17: {  	s4 =	ssub.s32 $0x0, s21;
	[sflag:s23] =	ssyncset.done $0x0  }
0x18: {  	[sflag:s23] =	ssyncadd.s32 s4;
	_ =	sdelay $0x1  }
0x19: {  	s24 =	simm.s32 $0x1B8B  }
0x1a: {  	_ =	swait.ge [sflag:s24], $0x1  }
0x1b: {  	[sflag:s24] =	ssyncset.done $0x0  }
0x1c: {  	s26 =	simm.s32 $0x1B8E;
	s25 =	sld [smem:$0x3FFE];
	[sflag:s24] =	ssyncadd.s32 $0xFFFFFFFF  }
0x1d: {  	s27 =	simm.s32 $execute0_lowered;
	[smem:$0x3FD2] =	sst s26  }
0x1e: {  	s5 =	sshll.u32 s27, $0x1;
	_ =	strace $0x80000049;
	[dreg:$0x1] =	wrdreg $0xFFFFFFFF  }
0x1f: {  	s28 =	simm.s32 $_size_execute0_lowered;
	s3 =	sadd.s32 s3, s5;
	[dreg:$0x0] =	wrdreg $0x0  }
0x20: {  	s5 =	sshll.u32 s28, $0x1;
	[dreg:$0x2] =	wrdreg s3  }
0x21: {  	[dreg:$0x3] =	wrdreg s5  }
0x22: {  	[dreg:$0x4] =	wrdreg $0xC0  }
0x23: {  	_ =	task [dreg:s7], $0x5FFFF  }
0x24: {  	[dreg:$0x1] =	wrdreg $0xFFFFFFFF  }
0x25: {  	[dreg:$0x0] =	wrdreg $0x60  }
0x26: {  	[dreg:$0x2] =	wrdreg s25  }
0x27: {  	[dreg:$0x3] =	wrdreg s2  }
0x28: {  	[dreg:$0x4] =	wrdreg $0x9  }
0x29: {  	_ =	task.clear_ibuf [dreg:s7], $0x5FFFF;
	_ =	strace $0x90000049  }
0x2a: {  	s29 =	simm.s32 $0x9;
	_ =	strace $0x8000004B  }
0x2b: {  	_ =	swait.ge [sflag:s29], $0x1  }
0x2c: {  	[sflag:s29] =	ssyncadd.s32 $0xFFFFFFFF  }
0x2d: {  	_ =	strace $0x9000004B  }
0x2e: {  	_ =	sfence  }
0x2f: {  	s30 =	sld [smem:$0x0];
	_ =	sdelay $0x2  }
0x30: {  	s31 =	sshll.u32 s1, $0xD;
	s1 =	sshrl.u32 s1, $0x2  }
0x31: {  	s3 =	sand.u32 $0x4000, s31;
	s1 =	sadd.s32 s1, s30  }
0x32: {  	s0 =	sor.u32 s3, s0;
	s1 =	sshll.u32 s1, $0x11  }
0x33: {  	s0 =	sor.u32 s1, s0  }
0x34: {  	s0 =	sadd.s32 $0x8F2B, s0  }
0x35: {  	[sflag:s0] =	ssyncadd.remote.s32 $0x1  }
0x36: {  	_ =	sfence.sel $0xFFFF  }
0x37: {  	[dreg:$0x0] =	wrdreg $0xFFFFFFFF;
	(pc) =	sbr.abs _section_cstart, $3  }
0x38: {  	[dreg:$0x1] =	wrdreg $0xFFFFFFFF  }
0x39: {  	_ =	task.clear_ibuf [dreg:s7], $0x2FFFF;
	_ =	strace $0x9FFFFFFF  }
0x3a: {  	(tm) =	ssettm $0x7FFFFFFF  }
0x3b: {  	_ =	shalt  }
tec
execute0_lowered:
.L_overlay_start_1:
0x0: {  	(tag) =	ssettag $0x1  }
0x1: {  	s0 =	rddreg [dreg:$0x0];
	s2 =	srdreg.scid  }
0x2: {  	s1 =	rddreg [dreg:$0x1];
	_ =	strace $0x8000004A;
	s4 =	simm.s32 $0x1  }
0x3: {  	s6 =	simm.s32 $0x2;
	s15 =	simm.s32 $0x0;
	s8 =	simm.s32 $0x40000  }
0x4: {  	s9 =	simm.s32 $0x0;
	s16 =	simm.s32 $0x0;
	s18 =	simm.s32 $0x0  }
0x5: {  	s17 =	simm.s32 $0x0;
	s10 =	simm.s32 $0x0;
	s2 =	sshll.u32 s2, $0x3  }
0x6: {  	s11 =	simm.s32 $0x0;
	s13 =	stileid.u32;
	s2 =	sand.u32 $0x8, s2  }
.Ltmp0:
0x7: {  	s14 =	simm.s32 $0x0;
	s3 =	ssub.s32 $0x200, s2;
	(pc) =	sbr.rel .LBB1_1-.Ltmp0, $4  }
0x8: {  	s24 =	simm.s32 $0x0;
	s5 =	sadd.s32 $0xA00, s0;
	s31 =	sshrl.u32 s3, $0x3  }
0x9: {  	[sflag:s4] =	ssyncpa.u1 $0x0;
	s7 =	sshrl.u32 s3, $0x4;
	s0 =	sand.u32 $0x1, s31  }
0xa: {  	[sflag:s6] =	ssyncpa.u1 $0x0;
	s12 =	smov.u32 s2;
	s0 =	sadd.s32 s7, s0  }
0xb: {  	s3 =	stileid.u32;
	s6 =	sshll.u32 s0, $0x1;
	s7 =	sshllo.u32 s0, $0x1  }
.LBB1_7:
0xc: {  	s0 =	sadd.s32 $0x100, s10  }
0xd: {  	s15 =	sadd.s32 $0x8, s11;
	s19 =	smov.u32 s11;
	p1 =	sgt.s32 s0, $0x1FF  }
0xe: {  	s19 =	smov.u32 @p1 s15  }
0xf: {  	s20 =	smov.u32 s12;
	s15 =	sadd.s32 $0x10, s12;
	p2 =	sgt.s32 s19, $0x7  }
0x10: {  	s20 =	smov.u32 @p2 s15  }
0x11: {  	s21 =	smov.u32 s13;
	s15 =	sadd.s32 $0x10, s13;
	p3 =	sgt.s32 s20, $0x1FF  }
0x12: {  	p0 =	slt.u32 s14, $0x2;
	s21 =	smov.u32 @p3 s15  }
0x13: {  	s16 =	smov.u32 s11;
	s0 =	simm.s32 @p1 $0x0;
	p1 =	sgt.s32 s21, $0xF  }
0x14: {  	s22 =	simm.s32 @!p0 $0x2;
	s21 =	smov.u32 @p1 s3;
	p1 =	sne.s32 s14, s7  }
.Ltmp1:
0x15: {  	s18 =	smov.u32 s12;
	_ =	swait.ge @!p0 [sflag:s22], $0x4000;
	(pc) =	sbr.rel @!p1 .LBB1_8-.Ltmp1, $4  }
0x16: {  	s17 =	smov.u32 s13;
	[sflag:s22] =	ssyncset.done @!p0 $0x0;
	s19 =	simm.s32 @p2 $0x0  }
0x17: {  	s9 =	sadd.s32 $0x4000, s9;
	[sflag:s22] =	ssyncadd.s32 @!p0 $0xFFFFC000;
	s11 =	smov.u32 s19  }
0x18: {  	s20 =	smov.u32 @p3 s2;
	s15 =	smov.u32 s10;
	s10 =	smov.u32 s0  }
0x19: {  	s12 =	smov.u32 s20;
	s14 =	sadd.s32 $0x1, s14;
	s13 =	smov.u32 s21  }
.LBB1_1:
0x1a: {  	p0 =	sge.u32 s14, s6  }
0x1b: {  	s31 =	sadd.s32 $0xFFFFFFFF, s14;
	s0 =	sxor.u32 @!p0 $0xFFFFFFFF, s14;
	s19 =	sshll.u32 @!p0 s10, $0x3  }
0x1c: {  	s20 =	sshll.u32 @!p0 s11, $0x7;
	s21 =	sand.u32 @!p0 $0x78, s10;
	s22 =	sshll.u32 @!p0 s13, $0x12  }
0x1d: {  	s23 =	sshll.u32 @!p0 s12, $0x9;
	s0 =	sshll.u32 @!p0 s0, $0xE;
	s20 =	sand.u32 @!p0 $0x380, s20  }
0x1e: {  	s19 =	sand.u32 @!p0 $0xC00, s19;
	s0 =	sand.u32 @!p0 $0x4000, s0;
	s20 =	sor.u32 @!p0 s21, s20  }
0x1f: {  	s21 =	sand.u32 @!p0 $0x7, s10;
	s19 =	sor.u32 @!p0 s19, s20;
	s20 =	sadd.s32 @!p0 s5, s22  }
0x20: {  	s21 =	sshll.u32 @!p0 s21, $0x12;
	s19 =	sshrl.u32 @!p0 s19, $0x3;
	s20 =	sadd.s32 @!p0 s23, s20  }
0x21: {  	s19 =	sadd.s32 @!p0 s19, s20;
	s20 =	sor.u32 @!p0 $0x800, s21;
	s21 =	simm.s32 @!p0 $0x1000  }
0x22: {  	[tilespmem:s0], [sflag:$0x1] =	stream.strided.gather @!p0 [hbm4b:s19+s20], $0x4000, s21, s20, $0x38;
	[tilespmem:$0x10000] =	vst v63  }
0x23: {  	p0 =	sge.u32 s31, s6  }
.Ltmp2:
0x24: {  	_ = 	snop;
	(pc) =	sbr.rel @p0 .LBB1_7-.Ltmp2, $1  }
0x25: {  	_ =	sdelay $0x3  }
0x26: {  	s0 =	sshll.u32 s9, $0x2;
	_ =	swait.ge [sflag:s4], $0x4000;
	s19 =	sshll.u32 s14, $0xE  }
0x27: {  	p0 =	por $0x0, $0x0;
	s25 =	simm.s32 $0x0;
	s26 =	simm.s32 $0x0  }
0x28: {  	s0 =	sand.u32 $0x10000, s0;
	[sflag:s4] =	ssyncset.done $0x0;
	s22 =	sand.u32 $0x4000, s19  }
0x29: {  	s0 =	sshrl.u32 s0, $0x2;
	[sflag:s4] =	ssyncadd.s32 $0xFFFFC000;
	s19 =	sor.u32 $0x8000, s22  }
0x2a: {  	s20 =	sor.u32 $0x40, s0;
	s21 =	sor.u32 $0x8410, s0;
	s23 =	sadd.s32 $0x8400, s0  }
.LBB1_3:
0x2b: {  	v1 =	vld [tilespmem:s20+$0xFFFFFFD0]  }
0x2c: {  	v2 =	vld [tilespmem:s20+$0x430]  }
0x2d: {  	s0 =	sshll.u32 s26, $0xB;
	v4 =	vld [tilespmem:s20+$0xFFFFFFE0]  }
0x2e: {  	v7 =	vld [tilespmem:s20+$0xFFFFFFF0];
	v0 =	vmov s0  }
0x2f: {  	v8 =	vld [tilespmem:s20+$0x0]  }
0x30: {  	v9 =	vld [tilespmem:s20+$0x10];
	s0 =	sand.u32 $0x300, s24  }
0x31: {  	s27 =	sand.u32 $0x80, s24;
	v10 =	vld [tilespmem:s20+$0x20];
	s0 =	sadd.s32 s0, s22  }
0x32: {  	v11 =	vld [tilespmem:s20+$0x30];
	s0 =	sadd.s32 s27, s0;
	s27 =	simm.s32 $0x1;
	[tilespmem:s21+$0x60] =	vst v2  }
0x33: {  	s27 =	simm.s32 @!p0 $0x0;
	[tilespmem:s21+$0xFFFFFC00] =	vst v1;
	v3 =	vld.idx.msk [tilespmem:v0+s0+$0x400 ss:$0x1], $0xffff;
	s0 =	sshll.u32 s25, $0x2  }
0x34: {  	v6 =	vld [tilespmem:s20+$0x3D0];
	s27 =	sshll.u32 s27, $0x9;
	[tilespmem:s21+$0xFFFFFC10] =	vst v4;
	s0 =	sand.u32 $0xFFFFFC00, s0  }
0x35: {  	v5 =	vld [tilespmem:s20+$0x3E0];
	[tilespmem:s21+$0xFFFFFC20] =	vst v7;
	s0 =	sor.u32 s27, s0  }
0x36: {  	[tilespmem:s21+$0xFFFFFC30] =	vst v8;
	v4 =	vld [tilespmem:s20+$0x400];
	s0 =	sshrl.u32 s0, $0x2  }
0x37: {  	[tilespmem:s21+$0xFFFFFC40] =	vst v9;
	v1 =	vld [tilespmem:s20+$0x410];
	s27 =	sadd.s32 s0, s23  }
0x38: {  	[tilespmem:s27+$0x0] =	vst v3;
	v3 =	vld [tilespmem:s20+$0x3F0]  }
0x39: {  	s31 =	simm.s32 $0x80;
	s30 =	simm.s32 $0x100;
	[tilespmem:s21+$0xFFFFFC50] =	vst v10;
	v2 =	vld [tilespmem:s20+$0x420]  }
0x3a: {  	s28 =	sadd.s32 $0x80, s20;
	s29 =	smov.u32 s21;
	v7 =	vld [tilespmem:s20+$0xFFFFFFC0];
	[tilespmem:s21+$0xFFFFFC60] =	vst v11;
	s0 =	sand.u32 $0x300, s31  }
.LBB1_4:
0x3b: {  	p1 =	sne.s32 s30, $0x380;
	v8 =	vld [tilespmem:s28+$0xFFFFFFD0];
	s31 =	sand.u32 $0x80, s31;
	s0 =	sadd.s32 s0, s22;
	[tilespmem:s29+$0x0] =	vst v6  }
0x3c: {  	s0 =	sadd.s32 s31, s0;
	v6 =	vld [tilespmem:s28+$0x430];
	[tilespmem:s29+$0x10] =	vst v5;
	s31 =	smov.u32 s30  }
0x3d: {  	v5 =	vld.idx.msk [tilespmem:v0+s0+$0x400 ss:$0x1], $0xffff;
	[tilespmem:s29+$0x20] =	vst v3  }
0x3e: {  	v3 =	vld [tilespmem:s28+$0xFFFFFFE0];
	[tilespmem:s29+$0x30] =	vst v4  }
0x3f: {  	v4 =	vld [tilespmem:s28+$0xFFFFFFF0];
	[tilespmem:s29+$0xFFFFFBF0] =	vst v7  }
0x40: {  	v7 =	vld [tilespmem:s28+$0x0];
	[tilespmem:s29+$0x40] =	vst v1  }
0x41: {  	v1 =	vld [tilespmem:s28+$0x10];
	[tilespmem:s29+$0x50] =	vst v2;
	s29 =	sadd.s32 $0x800, s29  }
0x42: {  	s27 =	sadd.s32 $0x800, s27;
	v2 =	vld [tilespmem:s28+$0x20];
	[tilespmem:s29+$0x60] =	vst v6  }
0x43: {  	v9 =	vld [tilespmem:s28+$0x30];
	[tilespmem:s27+$0x0] =	vst v5  }
0x44: {  	[tilespmem:s29+$0xFFFFFC00] =	vst v8;
	v6 =	vld [tilespmem:s28+$0x3D0]  }
0x45: {  	[tilespmem:s29+$0xFFFFFC10] =	vst v3;
	v5 =	vld [tilespmem:s28+$0x3E0]  }
.Ltmp3:
0x46: {  	[tilespmem:s29+$0xFFFFFC20] =	vst v4;
	v3 =	vld [tilespmem:s28+$0x3F0];
	(pc) =	sbr.rel @p1 .LBB1_4-.Ltmp3, $4  }
0x47: {  	[tilespmem:s29+$0xFFFFFC30] =	vst v7;
	v4 =	vld [tilespmem:s28+$0x400]  }
0x48: {  	[tilespmem:s29+$0xFFFFFC40] =	vst v1;
	v1 =	vld [tilespmem:s28+$0x410]  }
0x49: {  	[tilespmem:s29+$0xFFFFFC50] =	vst v2;
	v2 =	vld [tilespmem:s28+$0x420]  }
0x4a: {  	s30 =	sadd.s32 $0x80, s30;
	s0 =	sand.u32 $0x300, s31;
	v7 =	vld [tilespmem:s28+$0xFFFFFFC0];
	[tilespmem:s29+$0xFFFFFC60] =	vst v9;
	s28 =	sadd.s32 $0x80, s28  }
0x4b: {  	[tilespmem:s29+$0x0] =	vst v6  }
0x4c: {  	[tilespmem:s29+$0x10] =	vst v5  }
0x4d: {  	v49 =	vld [tilespmem:s28+$0x430];
	[tilespmem:s29+$0x20] =	vst v3  }
0x4e: {  	v50 =	vld [tilespmem:s28+$0xFFFFFFD0];
	[tilespmem:s29+$0x30] =	vst v4  }
0x4f: {  	v51 =	vld [tilespmem:s28+$0xFFFFFFE0];
	[tilespmem:s29+$0x40] =	vst v1  }
0x50: {  	v52 =	vld [tilespmem:s28+$0xFFFFFFF0];
	[tilespmem:s29+$0x50] =	vst v2  }
0x51: {  	s30 =	sand.u32 $0x80, s31;
	s31 =	sadd.s32 $0x800, s29;
	v53 =	vld [tilespmem:s28+$0x0];
	[tilespmem:s29+$0xFFFFFBF0] =	vst v7  }
0x52: {  	v54 =	vld [tilespmem:s28+$0x10];
	[tilespmem:s31+$0x60] =	vst v49  }
0x53: {  	v55 =	vld [tilespmem:s28+$0x20];
	[tilespmem:s31+$0xFFFFFC00] =	vst v50  }
0x54: {  	v56 =	vld [tilespmem:s28+$0x30];
	[tilespmem:s31+$0xFFFFFC10] =	vst v51  }
0x55: {  	v57 =	vld [tilespmem:s28+$0x3D0];
	[tilespmem:s31+$0xFFFFFC20] =	vst v52  }
0x56: {  	v58 =	vld [tilespmem:s28+$0x3E0];
	[tilespmem:s31+$0xFFFFFC30] =	vst v53  }
0x57: {  	v59 =	vld [tilespmem:s28+$0x3F0];
	[tilespmem:s31+$0xFFFFFC40] =	vst v54  }
0x58: {  	v60 =	vld [tilespmem:s28+$0x400];
	[tilespmem:s31+$0xFFFFFC50] =	vst v55  }
0x59: {  	v61 =	vld [tilespmem:s28+$0xFFFFFFC0];
	[tilespmem:s31+$0xFFFFFC60] =	vst v56  }
0x5a: {  	s0 =	sadd.s32 s0, s22;
	v62 =	vld [tilespmem:s28+$0x410];
	[tilespmem:s31+$0x0] =	vst v57  }
0x5b: {  	v63 =	vld [tilespmem:s28+$0x420];
	s26 =	sadd.s32 $0x1, s26;
	s0 =	sadd.s32 s30, s0;
	[tilespmem:s31+$0x10] =	vst v58  }
0x5c: {  	p1 =	sne.s32 s26, $0x8;
	v0 =	vld.idx.msk [tilespmem:v0+s0+$0x400 ss:$0x1], $0xffff;
	[tilespmem:s31+$0x20] =	vst v59  }
.Ltmp4:
0x5d: {  	[tilespmem:s31+$0x30] =	vst v60;
	(pc) =	sbr.rel @p1 .LBB1_3-.Ltmp4, $4  }
0x5e: {  	[tilespmem:s31+$0xFFFFFBF0] =	vst v61  }
0x5f: {  	[tilespmem:s31+$0x40] =	vst v62  }
0x60: {  	s27 =	sadd.s32 $0x800, s27;
	s20 =	sadd.s32 $0x800, s20;
	[tilespmem:s31+$0x50] =	vst v63  }
0x61: {  	s25 =	sadd.s32 $0x80, s25;
	p0 =	por !p0, !p0;
	s21 =	sadd.s32 $0x80, s21;
	[tilespmem:s27+$0x0] =	vst v0  }
0x62: {  	s0 =	sand.u32 $0x78, s15  }
0x63: {  	s20 =	sshll.u32 s18, $0x9;
	s21 =	sshll.u32 s15, $0x3;
	s27 =	sshll.u32 s18, $0x7  }
0x64: {  	s17 =	sshll.u32 s17, $0x12;
	s16 =	sshll.u32 s16, $0xF;
	s30 =	sand.u32 $0x7, s15  }
0x65: {  	s20 =	sand.u32 $0x3F000, s20;
	s21 =	sand.u32 $0x3FC00, s21;
	s28 =	sand.u32 $0x200, s27  }
0x66: {  	s18 =	sand.u32 $0x180, s27;
	s17 =	sadd.s32 s1, s17;
	s20 =	sadd.s32 s20, s21  }
.Ltmp5:
0x67: {  	s0 =	sor.u32 s18, s0;
	s20 =	sor.u32 s28, s20;
	(pc) =	sbr.rel .LBB1_7-.Ltmp5, $4  }
0x68: {  	s16 =	sadd.s32 s16, s17;
	s0 =	sshrl.u32 s0, $0x3;
	s29 =	sshrl.u32 s20, $0x3  }
0x69: {  	s15 =	sshll.u32 s30, $0x12;
	s0 =	sadd.s32 s0, s16;
	s31 =	sand.u32 $0x7FC0, s29  }
0x6a: {  	s15 =	sor.u32 $0x800, s15;
	s0 =	sadd.s32 s31, s0  }
0x6b: {  	[hbm4b:s0+s15] =	stream.strided.scatter [tilespmem:s19], [sflag:$0x2], $0x4000, s8, s15, $0x38;
	[tilespmem:$0x10000] =	vst v63  }
.LBB1_8:
0x6c: {  	_ =	sfence.sel $0x180000  }
0x6d: {  	s0 =	simm.s32 $0x1;
	[bflag:$0x0] =	sbarrier.arrive $0xFFFF  }
0x6e: {  	s31 =	simm.s32 $0x2;
	[sflag:s0] =	ssyncpa.u1 $0x1  }
0x6f: {  	[sflag:s31] =	ssyncpa.u1 $0x1  }
0x70: {  	_ =	strace $0x9000004A  }
0x71: {  	[bflag:$0x2] =	sbarrier.arrive $0xFFFF  }
0x72: {  	p0 =	sne.s32 s3, $0x0;
	s0 =	rddreg [dreg:$0x2]  }
0x73: {  	s0 =	sadd.s32 @!p0 $0x100000, s0  }
0x74: {  	[sflag:s0] =	ssyncadd.tile.s32 @!p0 $0x1;
	_ =	shalt  }
.Lfunc_end1:
_tile_overlayer_lowered:
.L_overlay_start_2:
0x75: {  	(tag) =	ssettag $0x2  }
0x76: {  	s0 =	rddreg [dreg:$0x0];
	s2 =	stileid.u32  }
0x77: {  	s1 =	rddreg [dreg:$0x1];
	p0 =	sne.s32 s2, $0x0  }
0x78: {  	s3 =	rddreg [dreg:$0x2];
	[bflag:$0x3] =	sbarrier.arrive $0xFFFF;
	s2 =	simm.s32 @!p0 $0x1C01  }
0x79: {  	[timem:s3], [sflag:s2] =	dma.local @!p0 [hbm:s0], s1  }
0x7a: {  	s0 =	simm.s32 @!p0 $0x1  }
0x7b: {  	_ =	swait.ge @!p0 [sflag:s0], s1  }
0x7c: {  	s1 =	ssub.s32 @!p0 $0x0, s1;
	[sflag:s0] =	ssyncset.done @!p0 $0x0  }
0x7d: {  	[sflag:s0] =	ssyncadd.s32 @!p0 s1  }
0x7e: {  	[bflag:$0x3] =	sbarrier.arrive $0xFFFF  }
0x7f: {  	_ =	shalt  }

</sc_bundles>
